<compile_context>
chip_gen: v7x
topology: tpu7x:2x2x1
jax: 0.10.2.dev20260603
libtpu: 0.0.44.dev20260713+nightly
codegen_flags: <defaults>
</compile_context>

<pallas_src>
import functools

import jax
import jax.numpy as jnp
from jax import lax
from jax.experimental import pallas as pl
from jax.experimental.pallas import tpu as pltpu
from jax.experimental.pallas import tpu_sc as plsc

D = 512
NW = 32
CHUNK = 112
B_PER_W = 3136
B_OUT = 100000
TAIL_W = NW - 1
TAIL_FULL = 24
TAIL_REM = 96
TAIL_ROWS = TAIL_FULL * CHUNK + TAIL_REM

_mesh = plsc.VectorSubcoreMesh(core_axis_name="c", subcore_axis_name="s")


@functools.partial(
    pl.kernel,
    mesh=_mesh,
    out_type=jax.ShapeDtypeStruct((B_OUT, D), jnp.float32),
    scratch_types=[
        pltpu.VMEM((B_PER_W,), jnp.int32),
        pltpu.VMEM((CHUNK, D), jnp.float32),
        pltpu.VMEM((CHUNK, D), jnp.float32),
        pltpu.SemaphoreType.DMA,
        pltpu.SemaphoreType.DMA,
        pltpu.SemaphoreType.DMA,
        pltpu.SemaphoreType.DMA,
    ],
)
def _gather_kernel(
    table_hbm, idx_hbm, out_hbm, idx_v, buf0, buf1, gsem0, gsem1, ssem0, ssem1
):
    bufs = (buf0, buf1)
    gsems = (gsem0, gsem1)
    ssems = (ssem0, ssem1)

    wid = lax.axis_index("s") * 2 + lax.axis_index("c")
    base = wid * B_PER_W
    n_pairs = jnp.where(wid == TAIL_W, TAIL_FULL // 2, 28 // 2)

    @pl.when(wid != TAIL_W)
    def _():
        pltpu.sync_copy(idx_hbm.at[pl.ds(base, B_PER_W)], idx_v)

    @pl.when(wid == TAIL_W)
    def _():
        pltpu.sync_copy(
            idx_hbm.at[pl.ds(base, TAIL_ROWS)], idx_v.at[pl.ds(0, TAIL_ROWS)]
        )

    def start_gather(j, b):
        off = pl.multiple_of(j * CHUNK, 8)
        pltpu.async_copy(
            table_hbm.at[idx_v.at[pl.ds(off, CHUNK)]], bufs[b], gsems[b]
        )

    def start_scatter(j, b):
        off = pl.multiple_of(j * CHUNK, 8)
        pltpu.async_copy(bufs[b], out_hbm.at[pl.ds(base + off, CHUNK)], ssems[b])

    def wait_gather(b):
        pltpu.make_async_copy(
            table_hbm.at[pl.ds(0, CHUNK)], bufs[b], gsems[b]
        ).wait()

    def wait_scatter(b):
        pltpu.make_async_copy(
            bufs[b], out_hbm.at[pl.ds(base, CHUNK)], ssems[b]
        ).wait()

    start_gather(0, 0)
    start_gather(1, 1)

    def body(p, carry):
        j = p * 2
        for b in range(2):
            wait_gather(b)
            start_scatter(j + b, b)
        for b in range(2):
            wait_scatter(b)

            @pl.when(p < n_pairs - 1)
            def _():
                start_gather(j + 2 + b, b)

        return carry

    lax.fori_loop(0, n_pairs, body, 0)

    @pl.when(wid == TAIL_W)
    def _():
        off = TAIL_FULL * CHUNK
        pltpu.async_copy(
            table_hbm.at[idx_v.at[pl.ds(off, TAIL_REM)]],
            buf0.at[pl.ds(0, TAIL_REM)],
            gsem0,
        ).wait()
        pltpu.async_copy(
            buf0.at[pl.ds(0, TAIL_REM)],
            out_hbm.at[pl.ds(base + off, TAIL_REM)],
            ssem0,
        ).wait()


def kernel(x_feats, upsample_indices):
    idx = upsample_indices.astype(jnp.int32)
    return _gather_kernel(x_feats, idx)

# --- scband reference (transcript-rebuilt; emitter-appended) ---
"""Pipeline reference for scband-nearest-upsample-88167088652498 (READ-ONLY COPY).

The authoritative reference and input builder live on the scoring server;
editing this copy changes nothing except your own understanding.
"""

import jax, jax.numpy as jnp
import numpy as np


def setup_inputs(seed: int = 0) -> dict:
    key = jax.random.key(seed)
    k1, k2 = jax.random.split(key)
    x_feats = jax.random.normal(k1, (50000, 512), dtype=jnp.float32)
    upsample_indices = jax.random.randint(k2, (100000,), 0, 50000, dtype=jnp.int64)
    return {"x_feats": x_feats, "upsample_indices": upsample_indices}


def reference(x_feats, upsample_indices):
    # nearest_upsample: copy the feature of the nearest coarse point to each fine point
    # i.e. a plain row gather: out[i] = x_feats[upsample_indices[i]]
    return jnp.take(x_feats, upsample_indices, axis=0)

if __name__ == "__main__":
    import jax
    _d = setup_inputs()
    print(jax.jit(kernel)(*tuple(_d.values())))

</pallas_src>

<mosaic_0001>
#map = affine_map<(d0, d1) -> (0, 0)>
#map1 = affine_map<(d0, d1) -> (0)>
module attributes {stable_mosaic.version = 14 : i64} {
  func.func @_gather_kernel(%arg0: i32, %arg1: i32, %arg2: memref<50000x512xf32, #tpu.memory_space<hbm>>, %arg3: memref<100000xi32, #tpu.memory_space<hbm>>, %arg4: memref<100000x512xf32, #tpu.memory_space<hbm>>, %arg5: memref<3136xi32, #tpu.memory_space<vmem>>, %arg6: memref<112x512xf32, #tpu.memory_space<vmem>>, %arg7: memref<112x512xf32, #tpu.memory_space<vmem>>, %arg8: memref<!tpu.dma_semaphore, #tpu.memory_space<semaphore_mem>>, %arg9: memref<!tpu.dma_semaphore, #tpu.memory_space<semaphore_mem>>, %arg10: memref<!tpu.dma_semaphore, #tpu.memory_space<semaphore_mem>>, %arg11: memref<!tpu.dma_semaphore, #tpu.memory_space<semaphore_mem>>) attributes {dimension_semantics = [#tpu.dimension_semantics<core_parallel>, #tpu.dimension_semantics<subcore_parallel>], iteration_bounds = array<i64: 2, 16>, scalar_prefetch = 0 : i64, scratch_operands = 7 : i64, tpu.core_type = #tpu.core_type<sc_vector_subcore>, window_params = [{transform_indices = #map}, {transform_indices = #map1}, {transform_indices = #map}]} {
    %mul3A = arith.constant 2 : i32
    %mul3A_0 = arith.muli %arg1, %mul3A : i32
    %add3A = arith.addi %mul3A_0, %arg0 : i32
    %mul3A_1 = arith.constant 3136 : i32
    %mul3A_2 = arith.muli %add3A, %mul3A_1 : i32
    %eq3A = arith.constant 31 : i32
    %eq3A_3 = arith.cmpi eq, %add3A, %eq3A : i32
    %jit3A = arith.constant 12 : i32
    %jit3A_4 = arith.constant 14 : i32
    %select_n3A = arith.select %eq3A_3, %jit3A, %jit3A_4 : i32
    %ne3A = arith.constant 31 : i32
    %ne3A_5 = arith.cmpi ne, %add3A, %ne3A : i32
    %convert_element_type3A = arith.extui %ne3A_5 : i1 to i32
    %cond3A = arith.constant 0 : i32
    %cond3A_6 = arith.cmpi ne, %convert_element_type3A, %cond3A : i32
    scf.if %cond3A_6 {
      "tpu.region"() ({
        %run_scoped3A = tpu.sem_alloc : memref<!tpu.dma_semaphore, #tpu.memory_space<semaphore_mem>>
        %dma_start3A_36 = tpu.memref_slice %arg3[%mul3A_2] : memref<100000xi32, #tpu.memory_space<hbm>> -> memref<3136xi32, #tpu.memory_space<hbm>>
        %dma_start3A_37 = tpu.memref_slice %arg3[%mul3A_2] : memref<100000xi32, #tpu.memory_space<hbm>> -> memref<3136xi32, #tpu.memory_space<hbm>>
        tpu.enqueue_dma source(%dma_start3A_37 : memref<3136xi32, #tpu.memory_space<hbm>>) target(%arg5 : memref<3136xi32, #tpu.memory_space<vmem>>) target_semaphore(%run_scoped3A : memref<!tpu.dma_semaphore, #tpu.memory_space<semaphore_mem>>)
        %dma_wait3A = tpu.memref_slice %arg3[%mul3A_2] : memref<100000xi32, #tpu.memory_space<hbm>> -> memref<3136xi32, #tpu.memory_space<hbm>>
        %dma_wait3A_38 = tpu.memref_slice %arg3[%mul3A_2] : memref<100000xi32, #tpu.memory_space<hbm>> -> memref<3136xi32, #tpu.memory_space<hbm>>
        tpu.wait_dma2 semaphore(%run_scoped3A : memref<!tpu.dma_semaphore, #tpu.memory_space<semaphore_mem>>) src(%dma_wait3A_38 : memref<3136xi32, #tpu.memory_space<hbm>>) dst(%arg5 : memref<3136xi32, #tpu.memory_space<vmem>>)
        tpu.yield
      }) : () -> ()
    } else {
    }
    %eq3A_7 = arith.constant 31 : i32
    %eq3A_8 = arith.cmpi eq, %add3A, %eq3A_7 : i32
    %convert_element_type3A_9 = arith.extui %eq3A_8 : i1 to i32
    %cond3A_10 = arith.constant 0 : i32
    %cond3A_11 = arith.cmpi ne, %convert_element_type3A_9, %cond3A_10 : i32
    scf.if %cond3A_11 {
      "tpu.region"() ({
        %run_scoped3A = tpu.sem_alloc : memref<!tpu.dma_semaphore, #tpu.memory_space<semaphore_mem>>
        %dma_start3A_36 = arith.constant 0 : i32
        %dma_start3A_37 = tpu.memref_slice %arg5[%dma_start3A_36] : memref<3136xi32, #tpu.memory_space<vmem>> -> memref<2784xi32, #tpu.memory_space<vmem>>
        %dma_start3A_38 = tpu.memref_slice %arg3[%mul3A_2] : memref<100000xi32, #tpu.memory_space<hbm>> -> memref<2784xi32, #tpu.memory_space<hbm>>
        %dma_start3A_39 = arith.constant 0 : i32
        %dma_start3A_40 = tpu.memref_slice %arg5[%dma_start3A_39] : memref<3136xi32, #tpu.memory_space<vmem>> -> memref<2784xi32, #tpu.memory_space<vmem>>
        %dma_start3A_41 = tpu.memref_slice %arg3[%mul3A_2] : memref<100000xi32, #tpu.memory_space<hbm>> -> memref<2784xi32, #tpu.memory_space<hbm>>
        tpu.enqueue_dma source(%dma_start3A_41 : memref<2784xi32, #tpu.memory_space<hbm>>) target(%dma_start3A_40 : memref<2784xi32, #tpu.memory_space<vmem>>) target_semaphore(%run_scoped3A : memref<!tpu.dma_semaphore, #tpu.memory_space<semaphore_mem>>)
        %dma_wait3A = arith.constant 0 : i32
        %dma_wait3A_42 = tpu.memref_slice %arg5[%dma_wait3A] : memref<3136xi32, #tpu.memory_space<vmem>> -> memref<2784xi32, #tpu.memory_space<vmem>>
        %dma_wait3A_43 = tpu.memref_slice %arg3[%mul3A_2] : memref<100000xi32, #tpu.memory_space<hbm>> -> memref<2784xi32, #tpu.memory_space<hbm>>
        %dma_wait3A_44 = arith.constant 0 : i32
        %dma_wait3A_45 = tpu.memref_slice %arg5[%dma_wait3A_44] : memref<3136xi32, #tpu.memory_space<vmem>> -> memref<2784xi32, #tpu.memory_space<vmem>>
        %dma_wait3A_46 = tpu.memref_slice %arg3[%mul3A_2] : memref<100000xi32, #tpu.memory_space<hbm>> -> memref<2784xi32, #tpu.memory_space<hbm>>
        tpu.wait_dma2 semaphore(%run_scoped3A : memref<!tpu.dma_semaphore, #tpu.memory_space<semaphore_mem>>) src(%dma_wait3A_46 : memref<2784xi32, #tpu.memory_space<hbm>>) dst(%dma_wait3A_45 : memref<2784xi32, #tpu.memory_space<vmem>>)
        tpu.yield
      }) : () -> ()
    } else {
    }
    %multiple_of3A = arith.constant 0 : i32
    %multiple_of3A_12 = tpu.assume_multiple %multiple_of3A, 8 : i32
    %dma_start3A = tpu.memref_slice %arg5[%multiple_of3A_12] : memref<3136xi32, #tpu.memory_space<vmem>> -> memref<112xi32, #tpu.memory_space<vmem>>
    %dma_start3A_13 = arith.constant 0 : i32
    %dma_start3A_14 = arith.constant 0 : i32
    %dma_start3A_15 = tpu.memref_slice %arg2[%dma_start3A_13, %dma_start3A_14] : memref<50000x512xf32, #tpu.memory_space<hbm>> -> memref<50000x512xf32, #tpu.memory_space<hbm>>
    tpu.enqueue_indirect_dma source(%dma_start3A_15 : memref<50000x512xf32, #tpu.memory_space<hbm>>) target(%arg6 : memref<112x512xf32, #tpu.memory_space<vmem>>) offsets(%dma_start3A : memref<112xi32, #tpu.memory_space<vmem>>) semaphore(%arg8 : memref<!tpu.dma_semaphore, #tpu.memory_space<semaphore_mem>>)
    %multiple_of3A_16 = arith.constant 112 : i32
    %multiple_of3A_17 = tpu.assume_multiple %multiple_of3A_16, 8 : i32
    %dma_start3A_18 = tpu.memref_slice %arg5[%multiple_of3A_17] : memref<3136xi32, #tpu.memory_space<vmem>> -> memref<112xi32, #tpu.memory_space<vmem>>
    %dma_start3A_19 = arith.constant 0 : i32
    %dma_start3A_20 = arith.constant 0 : i32
    %dma_start3A_21 = tpu.memref_slice %arg2[%dma_start3A_19, %dma_start3A_20] : memref<50000x512xf32, #tpu.memory_space<hbm>> -> memref<50000x512xf32, #tpu.memory_space<hbm>>
    tpu.enqueue_indirect_dma source(%dma_start3A_21 : memref<50000x512xf32, #tpu.memory_space<hbm>>) target(%arg7 : memref<112x512xf32, #tpu.memory_space<vmem>>) offsets(%dma_start3A_18 : memref<112xi32, #tpu.memory_space<vmem>>) semaphore(%arg9 : memref<!tpu.dma_semaphore, #tpu.memory_space<semaphore_mem>>)
    %while3A = arith.constant 0 : i32
    %while3A_22 = arith.constant 0 : i32
    %while3A_23 = arith.subi %select_n3A, %while3A_22 : i32
    %while3A_24 = arith.addi %while3A_22, %while3A_23 : i32
    %while3A_25 = arith.constant 1 : i32
    %while3A_26 = arith.divsi %while3A_23, %while3A_25 : i32
    %while3A_27 = arith.muli %while3A_26, %while3A_25 : i32
    %while3A_28 = arith.addi %while3A_22, %while3A_27 : i32
    %while3A_29 = arith.constant 1 : i32
    scf.for %while3A_36 = %while3A_22 to %while3A_28 step %while3A_29  : i32 {
      %mul3A_37 = arith.constant 2 : i32
      %mul3A_38 = arith.muli %while3A_36, %mul3A_37 : i32
      %dma_wait3A = arith.constant 0 : i32
      %dma_wait3A_39 = arith.constant 0 : i32
      %dma_wait3A_40 = tpu.memref_slice %arg2[%dma_wait3A, %dma_wait3A_39] : memref<50000x512xf32, #tpu.memory_space<hbm>> -> memref<112x512xf32, #tpu.memory_space<hbm>>
      %dma_wait3A_41 = arith.constant 0 : i32
      %dma_wait3A_42 = arith.constant 0 : i32
      %dma_wait3A_43 = tpu.memref_slice %arg2[%dma_wait3A_41, %dma_wait3A_42] : memref<50000x512xf32, #tpu.memory_space<hbm>> -> memref<112x512xf32, #tpu.memory_space<hbm>>
      tpu.wait_dma2 semaphore(%arg8 : memref<!tpu.dma_semaphore, #tpu.memory_space<semaphore_mem>>) src(%dma_wait3A_43 : memref<112x512xf32, #tpu.memory_space<hbm>>) dst(%arg6 : memref<112x512xf32, #tpu.memory_space<vmem>>)
      %add3A_44 = arith.constant 0 : i32
      %add3A_45 = arith.addi %mul3A_38, %add3A_44 : i32
      %mul3A_46 = arith.constant 112 : i32
      %mul3A_47 = arith.muli %add3A_45, %mul3A_46 : i32
      %multiple_of3A_48 = tpu.assume_multiple %mul3A_47, 8 : i32
      %add3A_49 = arith.addi %mul3A_2, %multiple_of3A_48 : i32
      %dma_start3A_50 = arith.constant 0 : i32
      %dma_start3A_51 = tpu.memref_slice %arg4[%add3A_49, %dma_start3A_50] : memref<100000x512xf32, #tpu.memory_space<hbm>> -> memref<112x512xf32, #tpu.memory_space<hbm>>
      %dma_start3A_52 = arith.constant 0 : i32
      %dma_start3A_53 = tpu.memref_slice %arg4[%add3A_49, %dma_start3A_52] : memref<100000x512xf32, #tpu.memory_space<hbm>> -> memref<112x512xf32, #tpu.memory_space<hbm>>
      tpu.enqueue_dma source(%arg6 : memref<112x512xf32, #tpu.memory_space<vmem>>) target(%dma_start3A_53 : memref<112x512xf32, #tpu.memory_space<hbm>>) target_semaphore(%arg10 : memref<!tpu.dma_semaphore, #tpu.memory_space<semaphore_mem>>)
      %dma_wait3A_54 = arith.constant 0 : i32
      %dma_wait3A_55 = arith.constant 0 : i32
      %dma_wait3A_56 = tpu.memref_slice %arg2[%dma_wait3A_54, %dma_wait3A_55] : memref<50000x512xf32, #tpu.memory_space<hbm>> -> memref<112x512xf32, #tpu.memory_space<hbm>>
      %dma_wait3A_57 = arith.constant 0 : i32
      %dma_wait3A_58 = arith.constant 0 : i32
      %dma_wait3A_59 = tpu.memref_slice %arg2[%dma_wait3A_57, %dma_wait3A_58] : memref<50000x512xf32, #tpu.memory_space<hbm>> -> memref<112x512xf32, #tpu.memory_space<hbm>>
      tpu.wait_dma2 semaphore(%arg9 : memref<!tpu.dma_semaphore, #tpu.memory_space<semaphore_mem>>) src(%dma_wait3A_59 : memref<112x512xf32, #tpu.memory_space<hbm>>) dst(%arg7 : memref<112x512xf32, #tpu.memory_space<vmem>>)
      %add3A_60 = arith.constant 1 : i32
      %add3A_61 = arith.addi %mul3A_38, %add3A_60 : i32
      %mul3A_62 = arith.constant 112 : i32
      %mul3A_63 = arith.muli %add3A_61, %mul3A_62 : i32
      %multiple_of3A_64 = tpu.assume_multiple %mul3A_63, 8 : i32
      %add3A_65 = arith.addi %mul3A_2, %multiple_of3A_64 : i32
      %dma_start3A_66 = arith.constant 0 : i32
      %dma_start3A_67 = tpu.memref_slice %arg4[%add3A_65, %dma_start3A_66] : memref<100000x512xf32, #tpu.memory_space<hbm>> -> memref<112x512xf32, #tpu.memory_space<hbm>>
      %dma_start3A_68 = arith.constant 0 : i32
      %dma_start3A_69 = tpu.memref_slice %arg4[%add3A_65, %dma_start3A_68] : memref<100000x512xf32, #tpu.memory_space<hbm>> -> memref<112x512xf32, #tpu.memory_space<hbm>>
      tpu.enqueue_dma source(%arg7 : memref<112x512xf32, #tpu.memory_space<vmem>>) target(%dma_start3A_69 : memref<112x512xf32, #tpu.memory_space<hbm>>) target_semaphore(%arg11 : memref<!tpu.dma_semaphore, #tpu.memory_space<semaphore_mem>>)
      %dma_wait3A_70 = arith.constant 0 : i32
      %dma_wait3A_71 = tpu.memref_slice %arg4[%mul3A_2, %dma_wait3A_70] : memref<100000x512xf32, #tpu.memory_space<hbm>> -> memref<112x512xf32, #tpu.memory_space<hbm>>
      %dma_wait3A_72 = arith.constant 0 : i32
      %dma_wait3A_73 = tpu.memref_slice %arg4[%mul3A_2, %dma_wait3A_72] : memref<100000x512xf32, #tpu.memory_space<hbm>> -> memref<112x512xf32, #tpu.memory_space<hbm>>
      tpu.wait_dma2 semaphore(%arg10 : memref<!tpu.dma_semaphore, #tpu.memory_space<semaphore_mem>>) src(%arg6 : memref<112x512xf32, #tpu.memory_space<vmem>>) dst(%dma_wait3A_73 : memref<112x512xf32, #tpu.memory_space<hbm>>)
      %sub3A = arith.constant 1 : i32
      %sub3A_74 = arith.subi %select_n3A, %sub3A : i32
      %lt3A = arith.cmpi slt, %while3A_36, %sub3A_74 : i32
      %convert_element_type3A_75 = arith.extui %lt3A : i1 to i32
      %cond3A_76 = arith.constant 0 : i32
      %cond3A_77 = arith.cmpi ne, %convert_element_type3A_75, %cond3A_76 : i32
      scf.if %cond3A_77 {
        %add3A_88 = arith.constant 2 : i32
        %add3A_89 = arith.addi %mul3A_38, %add3A_88 : i32
        %add3A_90 = arith.constant 0 : i32
        %add3A_91 = arith.addi %add3A_89, %add3A_90 : i32
        %mul3A_92 = arith.constant 112 : i32
        %mul3A_93 = arith.muli %add3A_91, %mul3A_92 : i32
        %multiple_of3A_94 = tpu.assume_multiple %mul3A_93, 8 : i32
        %dma_start3A_95 = tpu.memref_slice %arg5[%multiple_of3A_94] : memref<3136xi32, #tpu.memory_space<vmem>> -> memref<112xi32, #tpu.memory_space<vmem>>
        %dma_start3A_96 = arith.constant 0 : i32
        %dma_start3A_97 = arith.constant 0 : i32
        %dma_start3A_98 = tpu.memref_slice %arg2[%dma_start3A_96, %dma_start3A_97] : memref<50000x512xf32, #tpu.memory_space<hbm>> -> memref<50000x512xf32, #tpu.memory_space<hbm>>
        tpu.enqueue_indirect_dma source(%dma_start3A_98 : memref<50000x512xf32, #tpu.memory_space<hbm>>) target(%arg6 : memref<112x512xf32, #tpu.memory_space<vmem>>) offsets(%dma_start3A_95 : memref<112xi32, #tpu.memory_space<vmem>>) semaphore(%arg8 : memref<!tpu.dma_semaphore, #tpu.memory_space<semaphore_mem>>)
      } else {
      }
      %dma_wait3A_78 = arith.constant 0 : i32
      %dma_wait3A_79 = tpu.memref_slice %arg4[%mul3A_2, %dma_wait3A_78] : memref<100000x512xf32, #tpu.memory_space<hbm>> -> memref<112x512xf32, #tpu.memory_space<hbm>>
      %dma_wait3A_80 = arith.constant 0 : i32
      %dma_wait3A_81 = tpu.memref_slice %arg4[%mul3A_2, %dma_wait3A_80] : memref<100000x512xf32, #tpu.memory_space<hbm>> -> memref<112x512xf32, #tpu.memory_space<hbm>>
      tpu.wait_dma2 semaphore(%arg11 : memref<!tpu.dma_semaphore, #tpu.memory_space<semaphore_mem>>) src(%arg7 : memref<112x512xf32, #tpu.memory_space<vmem>>) dst(%dma_wait3A_81 : memref<112x512xf32, #tpu.memory_space<hbm>>)
      %sub3A_82 = arith.constant 1 : i32
      %sub3A_83 = arith.subi %select_n3A, %sub3A_82 : i32
      %lt3A_84 = arith.cmpi slt, %while3A_36, %sub3A_83 : i32
      %convert_element_type3A_85 = arith.extui %lt3A_84 : i1 to i32
      %cond3A_86 = arith.constant 0 : i32
      %cond3A_87 = arith.cmpi ne, %convert_element_type3A_85, %cond3A_86 : i32
      scf.if %cond3A_87 {
        %add3A_88 = arith.constant 2 : i32
        %add3A_89 = arith.addi %mul3A_38, %add3A_88 : i32
        %add3A_90 = arith.constant 1 : i32
        %add3A_91 = arith.addi %add3A_89, %add3A_90 : i32
        %mul3A_92 = arith.constant 112 : i32
        %mul3A_93 = arith.muli %add3A_91, %mul3A_92 : i32
        %multiple_of3A_94 = tpu.assume_multiple %mul3A_93, 8 : i32
        %dma_start3A_95 = tpu.memref_slice %arg5[%multiple_of3A_94] : memref<3136xi32, #tpu.memory_space<vmem>> -> memref<112xi32, #tpu.memory_space<vmem>>
        %dma_start3A_96 = arith.constant 0 : i32
        %dma_start3A_97 = arith.constant 0 : i32
        %dma_start3A_98 = tpu.memref_slice %arg2[%dma_start3A_96, %dma_start3A_97] : memref<50000x512xf32, #tpu.memory_space<hbm>> -> memref<50000x512xf32, #tpu.memory_space<hbm>>
        tpu.enqueue_indirect_dma source(%dma_start3A_98 : memref<50000x512xf32, #tpu.memory_space<hbm>>) target(%arg7 : memref<112x512xf32, #tpu.memory_space<vmem>>) offsets(%dma_start3A_95 : memref<112xi32, #tpu.memory_space<vmem>>) semaphore(%arg9 : memref<!tpu.dma_semaphore, #tpu.memory_space<semaphore_mem>>)
      } else {
      }
    }
    %while3A_30 = arith.constant 1 : i32
    scf.for %while3A_36 = %while3A_28 to %while3A_24 step %while3A_30  : i32 {
      %mul3A_37 = arith.constant 2 : i32
      %mul3A_38 = arith.muli %while3A_36, %mul3A_37 : i32
      %dma_wait3A = arith.constant 0 : i32
      %dma_wait3A_39 = arith.constant 0 : i32
      %dma_wait3A_40 = tpu.memref_slice %arg2[%dma_wait3A, %dma_wait3A_39] : memref<50000x512xf32, #tpu.memory_space<hbm>> -> memref<112x512xf32, #tpu.memory_space<hbm>>
      %dma_wait3A_41 = arith.constant 0 : i32
      %dma_wait3A_42 = arith.constant 0 : i32
      %dma_wait3A_43 = tpu.memref_slice %arg2[%dma_wait3A_41, %dma_wait3A_42] : memref<50000x512xf32, #tpu.memory_space<hbm>> -> memref<112x512xf32, #tpu.memory_space<hbm>>
      tpu.wait_dma2 semaphore(%arg8 : memref<!tpu.dma_semaphore, #tpu.memory_space<semaphore_mem>>) src(%dma_wait3A_43 : memref<112x512xf32, #tpu.memory_space<hbm>>) dst(%arg6 : memref<112x512xf32, #tpu.memory_space<vmem>>)
      %add3A_44 = arith.constant 0 : i32
      %add3A_45 = arith.addi %mul3A_38, %add3A_44 : i32
      %mul3A_46 = arith.constant 112 : i32
      %mul3A_47 = arith.muli %add3A_45, %mul3A_46 : i32
      %multiple_of3A_48 = tpu.assume_multiple %mul3A_47, 8 : i32
      %add3A_49 = arith.addi %mul3A_2, %multiple_of3A_48 : i32
      %dma_start3A_50 = arith.constant 0 : i32
      %dma_start3A_51 = tpu.memref_slice %arg4[%add3A_49, %dma_start3A_50] : memref<100000x512xf32, #tpu.memory_space<hbm>> -> memref<112x512xf32, #tpu.memory_space<hbm>>
      %dma_start3A_52 = arith.constant 0 : i32
      %dma_start3A_53 = tpu.memref_slice %arg4[%add3A_49, %dma_start3A_52] : memref<100000x512xf32, #tpu.memory_space<hbm>> -> memref<112x512xf32, #tpu.memory_space<hbm>>
      tpu.enqueue_dma source(%arg6 : memref<112x512xf32, #tpu.memory_space<vmem>>) target(%dma_start3A_53 : memref<112x512xf32, #tpu.memory_space<hbm>>) target_semaphore(%arg10 : memref<!tpu.dma_semaphore, #tpu.memory_space<semaphore_mem>>)
      %dma_wait3A_54 = arith.constant 0 : i32
      %dma_wait3A_55 = arith.constant 0 : i32
      %dma_wait3A_56 = tpu.memref_slice %arg2[%dma_wait3A_54, %dma_wait3A_55] : memref<50000x512xf32, #tpu.memory_space<hbm>> -> memref<112x512xf32, #tpu.memory_space<hbm>>
      %dma_wait3A_57 = arith.constant 0 : i32
      %dma_wait3A_58 = arith.constant 0 : i32
      %dma_wait3A_59 = tpu.memref_slice %arg2[%dma_wait3A_57, %dma_wait3A_58] : memref<50000x512xf32, #tpu.memory_space<hbm>> -> memref<112x512xf32, #tpu.memory_space<hbm>>
      tpu.wait_dma2 semaphore(%arg9 : memref<!tpu.dma_semaphore, #tpu.memory_space<semaphore_mem>>) src(%dma_wait3A_59 : memref<112x512xf32, #tpu.memory_space<hbm>>) dst(%arg7 : memref<112x512xf32, #tpu.memory_space<vmem>>)
      %add3A_60 = arith.constant 1 : i32
      %add3A_61 = arith.addi %mul3A_38, %add3A_60 : i32
      %mul3A_62 = arith.constant 112 : i32
      %mul3A_63 = arith.muli %add3A_61, %mul3A_62 : i32
      %multiple_of3A_64 = tpu.assume_multiple %mul3A_63, 8 : i32
      %add3A_65 = arith.addi %mul3A_2, %multiple_of3A_64 : i32
      %dma_start3A_66 = arith.constant 0 : i32
      %dma_start3A_67 = tpu.memref_slice %arg4[%add3A_65, %dma_start3A_66] : memref<100000x512xf32, #tpu.memory_space<hbm>> -> memref<112x512xf32, #tpu.memory_space<hbm>>
      %dma_start3A_68 = arith.constant 0 : i32
      %dma_start3A_69 = tpu.memref_slice %arg4[%add3A_65, %dma_start3A_68] : memref<100000x512xf32, #tpu.memory_space<hbm>> -> memref<112x512xf32, #tpu.memory_space<hbm>>
      tpu.enqueue_dma source(%arg7 : memref<112x512xf32, #tpu.memory_space<vmem>>) target(%dma_start3A_69 : memref<112x512xf32, #tpu.memory_space<hbm>>) target_semaphore(%arg11 : memref<!tpu.dma_semaphore, #tpu.memory_space<semaphore_mem>>)
      %dma_wait3A_70 = arith.constant 0 : i32
      %dma_wait3A_71 = tpu.memref_slice %arg4[%mul3A_2, %dma_wait3A_70] : memref<100000x512xf32, #tpu.memory_space<hbm>> -> memref<112x512xf32, #tpu.memory_space<hbm>>
      %dma_wait3A_72 = arith.constant 0 : i32
      %dma_wait3A_73 = tpu.memref_slice %arg4[%mul3A_2, %dma_wait3A_72] : memref<100000x512xf32, #tpu.memory_space<hbm>> -> memref<112x512xf32, #tpu.memory_space<hbm>>
      tpu.wait_dma2 semaphore(%arg10 : memref<!tpu.dma_semaphore, #tpu.memory_space<semaphore_mem>>) src(%arg6 : memref<112x512xf32, #tpu.memory_space<vmem>>) dst(%dma_wait3A_73 : memref<112x512xf32, #tpu.memory_space<hbm>>)
      %sub3A = arith.constant 1 : i32
      %sub3A_74 = arith.subi %select_n3A, %sub3A : i32
      %lt3A = arith.cmpi slt, %while3A_36, %sub3A_74 : i32
      %convert_element_type3A_75 = arith.extui %lt3A : i1 to i32
      %cond3A_76 = arith.constant 0 : i32
      %cond3A_77 = arith.cmpi ne, %convert_element_type3A_75, %cond3A_76 : i32
      scf.if %cond3A_77 {
        %add3A_88 = arith.constant 2 : i32
        %add3A_89 = arith.addi %mul3A_38, %add3A_88 : i32
        %add3A_90 = arith.constant 0 : i32
        %add3A_91 = arith.addi %add3A_89, %add3A_90 : i32
        %mul3A_92 = arith.constant 112 : i32
        %mul3A_93 = arith.muli %add3A_91, %mul3A_92 : i32
        %multiple_of3A_94 = tpu.assume_multiple %mul3A_93, 8 : i32
        %dma_start3A_95 = tpu.memref_slice %arg5[%multiple_of3A_94] : memref<3136xi32, #tpu.memory_space<vmem>> -> memref<112xi32, #tpu.memory_space<vmem>>
        %dma_start3A_96 = arith.constant 0 : i32
        %dma_start3A_97 = arith.constant 0 : i32
        %dma_start3A_98 = tpu.memref_slice %arg2[%dma_start3A_96, %dma_start3A_97] : memref<50000x512xf32, #tpu.memory_space<hbm>> -> memref<50000x512xf32, #tpu.memory_space<hbm>>
        tpu.enqueue_indirect_dma source(%dma_start3A_98 : memref<50000x512xf32, #tpu.memory_space<hbm>>) target(%arg6 : memref<112x512xf32, #tpu.memory_space<vmem>>) offsets(%dma_start3A_95 : memref<112xi32, #tpu.memory_space<vmem>>) semaphore(%arg8 : memref<!tpu.dma_semaphore, #tpu.memory_space<semaphore_mem>>)
      } else {
      }
      %dma_wait3A_78 = arith.constant 0 : i32
      %dma_wait3A_79 = tpu.memref_slice %arg4[%mul3A_2, %dma_wait3A_78] : memref<100000x512xf32, #tpu.memory_space<hbm>> -> memref<112x512xf32, #tpu.memory_space<hbm>>
      %dma_wait3A_80 = arith.constant 0 : i32
      %dma_wait3A_81 = tpu.memref_slice %arg4[%mul3A_2, %dma_wait3A_80] : memref<100000x512xf32, #tpu.memory_space<hbm>> -> memref<112x512xf32, #tpu.memory_space<hbm>>
      tpu.wait_dma2 semaphore(%arg11 : memref<!tpu.dma_semaphore, #tpu.memory_space<semaphore_mem>>) src(%arg7 : memref<112x512xf32, #tpu.memory_space<vmem>>) dst(%dma_wait3A_81 : memref<112x512xf32, #tpu.memory_space<hbm>>)
      %sub3A_82 = arith.constant 1 : i32
      %sub3A_83 = arith.subi %select_n3A, %sub3A_82 : i32
      %lt3A_84 = arith.cmpi slt, %while3A_36, %sub3A_83 : i32
      %convert_element_type3A_85 = arith.extui %lt3A_84 : i1 to i32
      %cond3A_86 = arith.constant 0 : i32
      %cond3A_87 = arith.cmpi ne, %convert_element_type3A_85, %cond3A_86 : i32
      scf.if %cond3A_87 {
        %add3A_88 = arith.constant 2 : i32
        %add3A_89 = arith.addi %mul3A_38, %add3A_88 : i32
        %add3A_90 = arith.constant 1 : i32
        %add3A_91 = arith.addi %add3A_89, %add3A_90 : i32
        %mul3A_92 = arith.constant 112 : i32
        %mul3A_93 = arith.muli %add3A_91, %mul3A_92 : i32
        %multiple_of3A_94 = tpu.assume_multiple %mul3A_93, 8 : i32
        %dma_start3A_95 = tpu.memref_slice %arg5[%multiple_of3A_94] : memref<3136xi32, #tpu.memory_space<vmem>> -> memref<112xi32, #tpu.memory_space<vmem>>
        %dma_start3A_96 = arith.constant 0 : i32
        %dma_start3A_97 = arith.constant 0 : i32
        %dma_start3A_98 = tpu.memref_slice %arg2[%dma_start3A_96, %dma_start3A_97] : memref<50000x512xf32, #tpu.memory_space<hbm>> -> memref<50000x512xf32, #tpu.memory_space<hbm>>
        tpu.enqueue_indirect_dma source(%dma_start3A_98 : memref<50000x512xf32, #tpu.memory_space<hbm>>) target(%arg7 : memref<112x512xf32, #tpu.memory_space<vmem>>) offsets(%dma_start3A_95 : memref<112xi32, #tpu.memory_space<vmem>>) semaphore(%arg9 : memref<!tpu.dma_semaphore, #tpu.memory_space<semaphore_mem>>)
      } else {
      }
    }
    %eq3A_31 = arith.constant 31 : i32
    %eq3A_32 = arith.cmpi eq, %add3A, %eq3A_31 : i32
    %convert_element_type3A_33 = arith.extui %eq3A_32 : i1 to i32
    %cond3A_34 = arith.constant 0 : i32
    %cond3A_35 = arith.cmpi ne, %convert_element_type3A_33, %cond3A_34 : i32
    scf.if %cond3A_35 {
      %dma_start3A_36 = arith.constant 0 : i32
      %dma_start3A_37 = arith.constant 0 : i32
      %dma_start3A_38 = tpu.memref_slice %arg6[%dma_start3A_36, %dma_start3A_37] : memref<112x512xf32, #tpu.memory_space<vmem>> -> memref<96x512xf32, #tpu.memory_space<vmem>>
      %dma_start3A_39 = arith.constant 2688 : i32
      %dma_start3A_40 = tpu.memref_slice %arg5[%dma_start3A_39] : memref<3136xi32, #tpu.memory_space<vmem>> -> memref<96xi32, #tpu.memory_space<vmem>>
      %dma_start3A_41 = arith.constant 0 : i32
      %dma_start3A_42 = arith.constant 0 : i32
      %dma_start3A_43 = tpu.memref_slice %arg2[%dma_start3A_41, %dma_start3A_42] : memref<50000x512xf32, #tpu.memory_space<hbm>> -> memref<50000x512xf32, #tpu.memory_space<hbm>>
      tpu.enqueue_indirect_dma source(%dma_start3A_43 : memref<50000x512xf32, #tpu.memory_space<hbm>>) target(%dma_start3A_38 : memref<96x512xf32, #tpu.memory_space<vmem>>) offsets(%dma_start3A_40 : memref<96xi32, #tpu.memory_space<vmem>>) semaphore(%arg8 : memref<!tpu.dma_semaphore, #tpu.memory_space<semaphore_mem>>)
      %dma_wait3A = arith.constant 0 : i32
      %dma_wait3A_44 = arith.constant 0 : i32
      %dma_wait3A_45 = tpu.memref_slice %arg6[%dma_wait3A, %dma_wait3A_44] : memref<112x512xf32, #tpu.memory_space<vmem>> -> memref<96x512xf32, #tpu.memory_space<vmem>>
      %dma_wait3A_46 = arith.constant 2688 : i32
      %dma_wait3A_47 = tpu.memref_slice %arg5[%dma_wait3A_46] : memref<3136xi32, #tpu.memory_space<vmem>> -> memref<96xi32, #tpu.memory_space<vmem>>
      %dma_wait3A_48 = arith.constant 0 : i32
      %dma_wait3A_49 = arith.constant 0 : i32
      %dma_wait3A_50 = tpu.memref_slice %arg2[%dma_wait3A_48, %dma_wait3A_49] : memref<50000x512xf32, #tpu.memory_space<hbm>> -> memref<50000x512xf32, #tpu.memory_space<hbm>>
      tpu.wait_indirect_dma semaphore(%arg8 : memref<!tpu.dma_semaphore, #tpu.memory_space<semaphore_mem>>) src(%dma_wait3A_50 : memref<50000x512xf32, #tpu.memory_space<hbm>>) dst(%dma_wait3A_45 : memref<96x512xf32, #tpu.memory_space<vmem>>)
      %add3A_51 = arith.constant 2688 : i32
      %add3A_52 = arith.addi %mul3A_2, %add3A_51 : i32
      %dma_start3A_53 = arith.constant 0 : i32
      %dma_start3A_54 = arith.constant 0 : i32
      %dma_start3A_55 = tpu.memref_slice %arg6[%dma_start3A_53, %dma_start3A_54] : memref<112x512xf32, #tpu.memory_space<vmem>> -> memref<96x512xf32, #tpu.memory_space<vmem>>
      %dma_start3A_56 = arith.constant 0 : i32
      %dma_start3A_57 = tpu.memref_slice %arg4[%add3A_52, %dma_start3A_56] : memref<100000x512xf32, #tpu.memory_space<hbm>> -> memref<96x512xf32, #tpu.memory_space<hbm>>
      %dma_start3A_58 = arith.constant 0 : i32
      %dma_start3A_59 = tpu.memref_slice %arg4[%add3A_52, %dma_start3A_58] : memref<100000x512xf32, #tpu.memory_space<hbm>> -> memref<96x512xf32, #tpu.memory_space<hbm>>
      %dma_start3A_60 = arith.constant 0 : i32
      %dma_start3A_61 = arith.constant 0 : i32
      %dma_start3A_62 = tpu.memref_slice %arg6[%dma_start3A_60, %dma_start3A_61] : memref<112x512xf32, #tpu.memory_space<vmem>> -> memref<96x512xf32, #tpu.memory_space<vmem>>
      tpu.enqueue_dma source(%dma_start3A_62 : memref<96x512xf32, #tpu.memory_space<vmem>>) target(%dma_start3A_59 : memref<96x512xf32, #tpu.memory_space<hbm>>) target_semaphore(%arg10 : memref<!tpu.dma_semaphore, #tpu.memory_space<semaphore_mem>>)
      %dma_wait3A_63 = arith.constant 0 : i32
      %dma_wait3A_64 = arith.constant 0 : i32
      %dma_wait3A_65 = tpu.memref_slice %arg6[%dma_wait3A_63, %dma_wait3A_64] : memref<112x512xf32, #tpu.memory_space<vmem>> -> memref<96x512xf32, #tpu.memory_space<vmem>>
      %dma_wait3A_66 = arith.constant 0 : i32
      %dma_wait3A_67 = tpu.memref_slice %arg4[%add3A_52, %dma_wait3A_66] : memref<100000x512xf32, #tpu.memory_space<hbm>> -> memref<96x512xf32, #tpu.memory_space<hbm>>
      %dma_wait3A_68 = arith.constant 0 : i32
      %dma_wait3A_69 = tpu.memref_slice %arg4[%add3A_52, %dma_wait3A_68] : memref<100000x512xf32, #tpu.memory_space<hbm>> -> memref<96x512xf32, #tpu.memory_space<hbm>>
      %dma_wait3A_70 = arith.constant 0 : i32
      %dma_wait3A_71 = arith.constant 0 : i32
      %dma_wait3A_72 = tpu.memref_slice %arg6[%dma_wait3A_70, %dma_wait3A_71] : memref<112x512xf32, #tpu.memory_space<vmem>> -> memref<96x512xf32, #tpu.memory_space<vmem>>
      tpu.wait_dma2 semaphore(%arg10 : memref<!tpu.dma_semaphore, #tpu.memory_space<semaphore_mem>>) src(%dma_wait3A_72 : memref<96x512xf32, #tpu.memory_space<vmem>>) dst(%dma_wait3A_69 : memref<96x512xf32, #tpu.memory_space<hbm>>)
    } else {
    }
    return
  }
}

</mosaic_0001>

<sc_bundles>
// kernel: kernel.3.cloned.1.call-start
scs
__scs_entry_jumppad:
0x0: {  	(pc) =	sbr.rel $0x88, $3  }
0x1: {  	(tag) =	ssettag $0x0;
	lr =	simm.s32 $0x1  }
0x2: {  	[smem:$0x3F9F] =	sst lr;
	_ =	strace $0xD0000000  }
0x3: {  	_ = 	snop  }
0x4: {  	_ = 	snop  }
0x5: {  	_ = 	snop  }
0x6: {  	_ = 	snop  }
0x7: {  	_ = 	snop  }
__scs_overlays_trampoline_lowered:
0x8: {  	[smem:$0x3FAE] =	sst s0  }
0x9: {  	[smem:$0x3FAF] =	sst s1  }
0xa: {  	[smem:$0x3FB0] =	sst s2  }
0xb: {  	[smem:$0x3FB1] =	sst s3  }
0xc: {  	[smem:$0x3FB2] =	sst s4  }
0xd: {  	[smem:$0x3FB3] =	sst s5  }
0xe: {  	[smem:$0x3FB4] =	sst s6  }
0xf: {  	[smem:$0x3FB5] =	sst s7  }
0x10: {  	[smem:$0x3FB6] =	sst s8  }
0x11: {  	[smem:$0x3FB7] =	sst s9;
	s0 =	simm.s32 @!p0 $0x0  }
0x12: {  	s1 =	sld [smem:$0x3F9D];
	s0 =	simm.s32 @p0 $0x1  }
0x13: {  	[smem:$0x3FB8] =	sst s0;
	s0 =	simm.s32 @!p1 $0x0  }
0x14: {  	s2 =	sld [smem:$0x3F9C];
	s0 =	simm.s32 @p1 $0x1  }
0x15: {  	[smem:$0x3FB9] =	sst s0;
	s0 =	simm.s32 @!p2 $0x0  }
0x16: {  	s3 =	sld [smem:$0x3FDB];
	s0 =	simm.s32 @p2 $0x1  }
0x17: {  	s4 =	simm.s32 $0x1BF5;
	[smem:$0x3FBB] =	sst s0  }
0x18: {  	s0 =	sld [smem:$0x3F9E];
	_ =	swait.ge [sflag:s4], $0x0  }
0x19: {  	s7 =	sld [smem:$0x3F9F]  }
0x1a: {  	s8 =	sadd.s32 $0xFFFFE003, lr  }
0x1b: {  	s9 =	sadd.s32 $0xFFFFFEF7, lr;
	s5 =	simm.s32 $0xFFFFFFFF;
	p2 =	slt.u32 s8, $0xFFFFF086  }
0x1c: {  	p1 =	slt.u32 s9, $0xF7A;
	s5 =	simm.s32 @!p2 $0x0  }
0x1d: {  	s5 =	simm.s32 @p1 $0x1;
	p0 =	seq.s32 s7, s2  }
0x1e: {  	s7 =	smul.u32 @!p0 $0xF7A, s2;
	p2 =	seq.s32 @!p0 s5, $0x0  }
0x1f: {  	s9 =	smul.u32 $0xF7A, s1;
	s8 =	simm.s32 @!p0 $0x1BF5;
	p2 =	por !p2, p0  }
0x20: {  	[sflag:s8] =	ssyncset.s32 @!p0 $0xFFFFF086;
	s6 =	sadd.s32 @!p0 s3, s7;
	s7 =	simm.s32 @!p0 $0x108  }
0x21: {  	s3 =	sadd.s32 s3, s9;
	s6 =	sadd.s32 @!p0 $0x88, s6;
	s7 =	simm.s32 @p2 $0x1082  }
0x22: {  	[simem:s7], [sflag:s8] =	dma.local @!p0 [hbm:s6], $0xF7A  }
0x23: {  	s9 =	sor.u32 $0xD0000000, s2;
	s6 =	simm.s32 $0x108;
	_ =	swait.ge @!p0 [sflag:s8], $0x0  }
0x24: {  	s3 =	sadd.s32 $0x88, s3;
	s6 =	simm.s32 @!p1 $0x1082;
	[sflag:s4] =	ssyncset.s32 $0xFFFFF086  }
0x25: {  	[simem:s6], [sflag:s4] =	dma.local [hbm:s3], $0xF7A  }
0x26: {  	[smem:$0x3F9F] =	sst s1;
	(tag) =	ssettag s2;
	_ =	strace s9  }
0x27: {  	s1 =	sld [smem:$0x3FAF]  }
0x28: {  	s2 =	sld [smem:$0x3FB0]  }
0x29: {  	s4 =	sld [smem:$0x3FB2]  }
0x2a: {  	p0 =	seq.s32 s5, $0x0;
	s5 =	sld [smem:$0x3FB3]  }
0x2b: {  	s6 =	sld [smem:$0x3FB4]  }
0x2c: {  	s7 =	sld [smem:$0x3FB5]  }
0x2d: {  	s3 =	simm.s32 $0x108;
	s8 =	sld [smem:$0x3FB6]  }
0x2e: {  	s3 =	simm.s32 @!p0 $0x1082;
	s9 =	sld [smem:$0x3FB7]  }
0x2f: {  	lr =	sadd.s32 s0, s3;
	s0 =	sld [smem:$0x3FAE]  }
0x30: {  	s3 =	sld [smem:$0x3FB1]  }
0x31: {  	[smem:$0x3FBA] =	sst s10  }
0x32: {  	s10 =	sld [smem:$0x3FB8];
	_ =	sdelay $0x3  }
0x33: {  	p0 =	seq.s32 s10, $0x1;
	s10 =	sld [smem:$0x3FBA];
	_ =	sdelay $0x3  }
0x34: {  	[smem:$0x3FBA] =	sst s10  }
0x35: {  	s10 =	sld [smem:$0x3FB9];
	_ =	sdelay $0x3  }
0x36: {  	p1 =	seq.s32 s10, $0x1;
	s10 =	sld [smem:$0x3FBA];
	_ =	sdelay $0x3  }
0x37: {  	[smem:$0x3FBA] =	sst s10  }
0x38: {  	s10 =	sld [smem:$0x3FBB]  }
0x39: {  	_ = 	snop;
	(pc) =	sbr.ind lr, $3  }
0x3a: {  	_ = 	snop  }
0x3b: {  	_ = 	snop  }
0x3c: {  	p2 =	seq.s32 s10, $0x1;
	s10 =	sld [smem:$0x3FBA]  }
0x3d: {  	_ =	shalt  }
0x3e: {  	_ =	shalt  }
0x3f: {  	_ =	shalt  }
0x40: {  	_ =	shalt  }
0x41: {  	_ =	shalt  }
0x42: {  	_ =	shalt  }
0x43: {  	_ =	shalt  }
0x44: {  	_ =	shalt  }
0x45: {  	_ =	shalt  }
0x46: {  	_ =	shalt  }
0x47: {  	_ =	shalt  }
0x48: {  	_ =	shalt  }
0x49: {  	_ =	shalt  }
0x4a: {  	_ =	shalt  }
0x4b: {  	_ =	shalt  }
0x4c: {  	_ =	shalt  }
0x4d: {  	_ =	shalt  }
0x4e: {  	_ =	shalt  }
0x4f: {  	_ =	shalt  }
0x50: {  	_ =	shalt  }
0x51: {  	_ =	shalt  }
0x52: {  	_ =	shalt  }
0x53: {  	_ =	shalt  }
0x54: {  	_ =	shalt  }
0x55: {  	_ =	shalt  }
0x56: {  	_ =	shalt  }
0x57: {  	_ =	shalt  }
0x58: {  	_ =	shalt  }
0x59: {  	_ =	shalt  }
0x5a: {  	_ =	shalt  }
0x5b: {  	_ =	shalt  }
0x5c: {  	_ =	shalt  }
0x5d: {  	_ =	shalt  }
0x5e: {  	_ =	shalt  }
0x5f: {  	_ =	shalt  }
0x60: {  	_ =	shalt  }
0x61: {  	_ =	shalt  }
0x62: {  	_ =	shalt  }
0x63: {  	_ =	shalt  }
0x64: {  	_ =	shalt  }
0x65: {  	_ =	shalt  }
0x66: {  	_ =	shalt  }
0x67: {  	_ =	shalt  }
0x68: {  	_ =	shalt  }
0x69: {  	_ =	shalt  }
0x6a: {  	_ =	shalt  }
0x6b: {  	_ =	shalt  }
0x6c: {  	_ =	shalt  }
0x6d: {  	_ =	shalt  }
0x6e: {  	_ =	shalt  }
0x6f: {  	_ =	shalt  }
0x70: {  	_ =	shalt  }
0x71: {  	_ =	shalt  }
0x72: {  	_ =	shalt  }
0x73: {  	_ =	shalt  }
0x74: {  	_ =	shalt  }
0x75: {  	_ =	shalt  }
0x76: {  	_ =	shalt  }
0x77: {  	_ =	shalt  }
0x78: {  	_ =	shalt  }
0x79: {  	_ =	shalt  }
0x7a: {  	_ =	shalt  }
0x7b: {  	_ =	shalt  }
0x7c: {  	_ =	shalt  }
0x7d: {  	_ =	shalt  }
0x7e: {  	_ =	shalt  }
0x7f: {  	_ =	shalt  }
0x80: {  	_ =	shalt  }
0x81: {  	_ =	shalt  }
0x82: {  	_ =	shalt  }
0x83: {  	_ =	shalt  }
0x84: {  	_ =	shalt  }
0x85: {  	_ =	shalt  }
0x86: {  	_ =	shalt  }
0x87: {  	_ =	shalt  }
.Lfunc_end0:
.L_simem_size_0:
called_computation_lowered:
.L_overlay_start_0:
0x88: {  	s2 =	sld [smem:$0x3FD9]  }
0x89: {  	s3 =	sld [smem:$0x3FFE];
	_ =	sdelay $0x1  }
0x8a: {  	s1 =	srdreg.scid  }
0x8b: {  	s0 =	sand.u32 $0x1, s1  }
0x8c: {  	s18 =	sshll.u32 s0, $0xA;
	s2 =	sadd.s32 s3, s2  }
0x8d: {  	s2 =	sadd.s32 s2, s18  }
0x8e: {  	[smem:$0x3FC6] =	sst s2  }
0x8f: {  	_ = 	snop  }
0x90: {  	s2 =	sld [smem:$0x3FC9]  }
0x91: {  	s19 =	sld [smem:$0x3FC8]  }
0x92: {  	s4 =	sld [smem:$0x3FD0];
	(tm) =	ssettm $0x1  }
0x93: {  	s5 =	sld [smem:$0x3FFB];
	_ =	sdelay $0x3  }
0x94: {  	_ =	strace s5  }
0x95: {  	s5 =	sld [smem:$0x3FFC];
	_ =	sdelay $0x3  }
0x96: {  	_ =	strace s5  }
0x97: {  	s5 =	sld [smem:$0x3FFD];
	_ =	sdelay $0x3  }
0x98: {  	_ =	strace s5  }
0x99: {  	_ =	strace $0x8FFFFFFF  }
0x9a: {  	s20 =	sld [smem:$0x3FDB];
	_ =	sdelay $0x1  }
0x9b: {  	s6 =	simm.s32 $_scs_section_size  }
0x9c: {  	s7 =	simm.s32 $_size__tile_overlayer_lowered;
	s8 =	simm.s32 $_tile_overlayer_lowered  }
0x9d: {  	s23 =	simm.s32 $0x1BFF;
	s22 =	sshll.u32 s8, $0x1;
	s5 =	sadd.s32 s6, s20  }
0x9e: {  	s9 =	simm.s32 $0x0;
	s21 =	sshll.u32 s7, $0x1;
	s7 =	sadd.s32 s22, s5  }
0x9f: {  	[timem:s9], [sflag:s23] =	dma.local [hbm:s7], s21  }
0xa0: {  	_ =	swait.ge [sflag:s23], s21  }
0xa1: {  	s6 =	ssub.s32 $0x0, s21;
	[sflag:s23] =	ssyncset.done $0x0  }
0xa2: {  	[sflag:s23] =	ssyncadd.s32 s6;
	_ =	sdelay $0x1  }
0xa3: {  	s24 =	simm.s32 $0x1B8B  }
0xa4: {  	_ =	swait.ge [sflag:s24], $0x1  }
0xa5: {  	[sflag:s24] =	ssyncset.done $0x0  }
0xa6: {  	s25 =	simm.s32 $0x1B8E;
	[sflag:s24] =	ssyncadd.s32 $0xFFFFFFFF  }
0xa7: {  	s26 =	simm.s32 $execute0_lowered;
	[smem:$0x3FD2] =	sst s25  }
0xa8: {  	s6 =	sshll.u32 s26, $0x1;
	_ =	strace $0x80000046;
	[dreg:$0x1] =	wrdreg $0xFFFFFFFF  }
0xa9: {  	s28 =	simm.s32 $_size_execute0_lowered;
	s5 =	sadd.s32 s5, s6;
	[dreg:$0x0] =	wrdreg $0x0  }
0xaa: {  	s6 =	sshll.u32 s28, $0x1;
	[dreg:$0x2] =	wrdreg s5  }
0xab: {  	[dreg:$0x3] =	wrdreg s6  }
0xac: {  	[dreg:$0x4] =	wrdreg $0xC0  }
0xad: {  	_ =	task [dreg:s9], $0x5FFFF  }
0xae: {  	[dreg:$0x1] =	wrdreg $0xFFFFFFFF  }
0xaf: {  	[dreg:$0x0] =	wrdreg $0x60  }
0xb0: {  	[dreg:$0x2] =	wrdreg s2  }
0xb1: {  	[dreg:$0x3] =	wrdreg s19  }
0xb2: {  	[dreg:$0x4] =	wrdreg s4  }
0xb3: {  	[dreg:$0x5] =	wrdreg $0x9  }
0xb4: {  	_ =	task.clear_ibuf [dreg:s9], $0x6FFFF;
	_ =	strace $0x90000046  }
0xb5: {  	s29 =	simm.s32 $0x9;
	_ =	strace $0x80000048  }
0xb6: {  	_ =	swait.ge [sflag:s29], $0x1  }
0xb7: {  	[sflag:s29] =	ssyncadd.s32 $0xFFFFFFFF  }
0xb8: {  	_ =	strace $0x90000048  }
0xb9: {  	_ =	sfence  }
0xba: {  	s30 =	sld [smem:$0x0];
	_ =	sdelay $0x2  }
0xbb: {  	s31 =	sshll.u32 s1, $0xD;
	s1 =	sshrl.u32 s1, $0x2  }
0xbc: {  	s3 =	sand.u32 $0x4000, s31;
	s1 =	sadd.s32 s1, s30  }
0xbd: {  	s0 =	sor.u32 s3, s0;
	s1 =	sshll.u32 s1, $0x11  }
0xbe: {  	s0 =	sor.u32 s1, s0  }
0xbf: {  	s0 =	sadd.s32 $0x8F2B, s0  }
0xc0: {  	[sflag:s0] =	ssyncadd.remote.s32 $0x1  }
0xc1: {  	_ =	sfence.sel $0xFFFF  }
0xc2: {  	[dreg:$0x0] =	wrdreg $0xFFFFFFFF;
	(pc) =	sbr.abs _section_cstart, $3  }
0xc3: {  	[dreg:$0x1] =	wrdreg $0xFFFFFFFF  }
0xc4: {  	_ =	task.clear_ibuf [dreg:s9], $0x2FFFF;
	_ =	strace $0x9FFFFFFF  }
0xc5: {  	(tm) =	ssettm $0x7FFFFFFF  }
tec
execute0_lowered:
.L_overlay_start_1:
0x0: {  	(tag) =	ssettag $0x1  }
0x1: {  	s1 =	rddreg [dreg:$0x0]  }
0x2: {  	s0 =	rddreg [dreg:$0x1]  }
0x3: {  	s2 =	rddreg [dreg:$0x2]  }
0x4: {  	s4 =	srdreg.scid;
	s10 =	stileid.u32  }
0x5: {  	s3 =	simm.s32 $0x0;
	s12 =	simm.s32 $0xC80;
	s15 =	simm.s32 $0xEC80  }
0x6: {  	s14 =	simm.s32 $0x14C80;
	s16 =	simm.s32 $0x15C80;
	s17 =	simm.s32 $0x16C80  }
0x7: {  	s18 =	simm.s32 $0x17C80;
	s28 =	simm.s32 $0x18480;
	s19 =	simm.s32 $0x18C80  }
0x8: {  	s29 =	simm.s32 $0x19480;
	s20 =	simm.s32 $0x19C80;
	s30 =	simm.s32 $0x1A480  }
0x9: {  	s31 =	simm.s32 $0x1B480;
	s21 =	simm.s32 $0x1BC80;
	s11 =	simm.s32 $0x1  }
0xa: {  	s22 =	simm.s32 $0x3;
	s5 =	sand.u32 $0x1, s4;
	s23 =	sshll.u32 s10, $0x1  }
0xb: {  	[smem:$0x7FF] =	sst s3;
	s4 =	simm.s32 $0xC;
	s25 =	smul.u32 $0x62000, s10  }
0xc: {  	s26 =	sadd.s32 $0x619000, s2;
	s10 =	simm.s32 $0x1AC80;
	s6 =	sor.u32 s5, s23  }
0xd: {  	_ =	strace $0x80000047;
	s7 =	ssub.s32 $0x2, s5;
	s5 =	smul.u32 $0x31000, s5  }
0xe: {  	[dreg:$0x6] =	wrdreg s26;
	s26 =	simm.s32 $0x17480;
	s8 =	smul.u32 $0xC40, s6  }
0xf: {  	s9 =	sshrl.u32 s7, $0x1;
	p0 =	seq.s32 s6, $0x1F;
	p1 =	sne.s32 s6, $0x1F  }
0x10: {  	s6 =	simm.s32 $0x0;
	s9 =	ssub.s32 s7, s9;
	s4 =	simm.s32 @!p0 $0xE  }
0x11: {  	s24 =	sshrl.u32 s8, $0x3;
	s8 =	sadd.s32 $0xFFFFFFFF, s4;
	s9 =	smax.u32 s9, $0x1  }
.Ltmp0:
0x12: {  	s7 =	sadd.s32 s0, s24;
	[dreg:$0x7] =	wrdreg s9;
	(pc) =	sbr.rel .LBB2_1-.Ltmp0, $4  }
0x13: {  	s0 =	sadd.s32 $0x2F78, s0;
	s24 =	simm.s32 $0x15480;
	[dreg:$0x4] =	wrdreg s7  }
0x14: {  	v2 =	vlaneseq.u32;
	s9 =	simm.s32 $0x4;
	[dreg:$0x5] =	wrdreg s0;
	s0 =	sadd.s32 s25, s2  }
0x15: {  	vm0 =	vmmov $0xffff;
	v1 =	vshrl.u32 v2, $0x3;
	s7 =	sadd.s32 $0x100, s1;
	s25 =	simm.s32 $0x16480;
	s0 =	sadd.s32 s5, s0  }
0x16: {  	v0 =	vand.u32 $0x7, v2;
	v2 =	vor.u32 $0x8, v2;
	v1 =	vmul.u32 $0x8, v1;
	s2 =	simm.s32 $0x2;
	[dreg:$0x8] =	wrdreg s0;
	s0 =	simm.s32 $0x1C480  }
.LBB2_8:
0x17: {  	s6 =	sadd.s32 $0x1, s6;
	s5 =	rddreg [dreg:$0x7]  }
0x18: {  	p2 =	sne.s32 s6, s5  }
.Ltmp1:
0x19: {  	_ = 	snop;
	(pc) =	sbr.rel @!p2 .LBB2_9-.Ltmp1, $1  }
0x1a: {  	_ =	sdelay $0x3  }
.LBB2_1:
0x1b: {  	[dreg:$0x9] =	wrdreg s6  }
0x1c: {  	s5 =	simm.s32 @p0 $0x0;
	s6 =	rddreg [dreg:$0x5]  }
0x1d: {  	[tilespmem:s5], [sflag:$0x5] =	stream.linear.gather @p0 [hbm4b:s6+s5], $0xAE0, $0x38;
	[tilespmem:$0x1CC80] =	vst v63  }
0x1e: {  	s5 =	simm.s32 @p0 $0x5  }
0x1f: {  	_ =	swait.ge @p0 [sflag:s5], $0xAE0  }
0x20: {  	[sflag:s5] =	ssyncset.done @p0 $0x0  }
0x21: {  	s6 =	rddreg [dreg:$0x4];
	[sflag:s5] =	ssyncadd.s32 @p0 $0xFFFFF520;
	s5 =	simm.s32 @!p0 $0x0  }
0x22: {  	[tilespmem:s5], [sflag:$0x5] =	stream.linear.gather @!p0 [hbm4b:s6+s5], $0xC40, $0x38;
	[tilespmem:$0x1CC80] =	vst v63  }
0x23: {  	s5 =	simm.s32 @!p0 $0x5  }
0x24: {  	_ =	swait.ge @!p0 [sflag:s5], $0xC40  }
0x25: {  	[sflag:s5] =	ssyncset.done @!p0 $0x0  }
0x26: {  	[sflag:s5] =	ssyncadd.s32 @!p0 $0xFFFFF3C0  }
0x27: {  	v3 =	vld [tilespmem:$0x0];
	_ =	sdelay $0x4  }
0x28: {  	v4 =	vshll.u32 v3, $0x2  }
0x29: {  	v3 =	vand.u32 $0x7, v3;
	v4 =	vand.u32 $0xFFFFFFE0, v4  }
0x2a: {  	v3 =	vor.u32 v3, v4  }
0x2b: {  	v4 =	vperm.xlane v3, v0;
	_ =	sdelay $0x1  }
0x2c: {  	v4 =	vadd.s32 v1, v4;
	_ =	sdelay $0x1  }
0x2d: {  	v3 =	vperm.xlane v3, v2;
	_ =	sdelay $0x1  }
0x2e: {  	v3 =	vadd.s32 v1, v3  }
0x2f: {  	[tilespmem:s12], [sflag:$0x1] =	stream.indirect_vreg.gather [hbm4b:s1+s3], $0x80, v4, vm0, $0xb8;
	[tilespmem:$0x1CC80] =	vst v63  }
0x30: {  	s13 =	simm.s32 $0x1480  }
0x31: {  	[tilespmem:s13], [sflag:$0x1] =	stream.indirect_vreg.gather [hbm4b:s7+s3], $0x80, v4, vm0, $0xb8;
	[tilespmem:$0x1CC80] =	vst v63  }
0x32: {  	s23 =	simm.s32 $0x1C80  }
0x33: {  	[tilespmem:s23], [sflag:$0x1] =	stream.indirect_vreg.gather [hbm4b:s1+s3], $0x80, v3, vm0, $0xb8;
	[tilespmem:$0x1CC80] =	vst v63  }
0x34: {  	s6 =	simm.s32 $0x2480  }
0x35: {  	[tilespmem:s6], [sflag:$0x1] =	stream.indirect_vreg.gather [hbm4b:s7+s3], $0x80, v3, vm0, $0xb8;
	[tilespmem:$0x1CC80] =	vst v63  }
0x36: {  	v3 =	vld [tilespmem:$0x10];
	_ =	sdelay $0x4  }
0x37: {  	v51 =	vshll.u32 v3, $0x2  }
0x38: {  	v3 =	vand.u32 $0x7, v3;
	v4 =	vand.u32 $0xFFFFFFE0, v51  }
0x39: {  	v3 =	vor.u32 v3, v4  }
0x3a: {  	v4 =	vperm.xlane v3, v0;
	_ =	sdelay $0x1  }
0x3b: {  	v4 =	vadd.s32 v1, v4;
	_ =	sdelay $0x1  }
0x3c: {  	v3 =	vperm.xlane v3, v2;
	_ =	sdelay $0x1  }
0x3d: {  	s13 =	simm.s32 $0x2C80;
	v3 =	vadd.s32 v1, v3  }
0x3e: {  	[tilespmem:s13], [sflag:$0x1] =	stream.indirect_vreg.gather [hbm4b:s1+s3], $0x80, v4, vm0, $0xb8;
	[tilespmem:$0x1CC80] =	vst v63  }
0x3f: {  	s23 =	simm.s32 $0x3480  }
0x40: {  	[tilespmem:s23], [sflag:$0x1] =	stream.indirect_vreg.gather [hbm4b:s7+s3], $0x80, v4, vm0, $0xb8;
	[tilespmem:$0x1CC80] =	vst v63  }
0x41: {  	s6 =	simm.s32 $0x3C80  }
0x42: {  	[tilespmem:s6], [sflag:$0x1] =	stream.indirect_vreg.gather [hbm4b:s1+s3], $0x80, v3, vm0, $0xb8;
	[tilespmem:$0x1CC80] =	vst v63  }
0x43: {  	s13 =	simm.s32 $0x4480  }
0x44: {  	[tilespmem:s13], [sflag:$0x1] =	stream.indirect_vreg.gather [hbm4b:s7+s3], $0x80, v3, vm0, $0xb8;
	[tilespmem:$0x1CC80] =	vst v63  }
0x45: {  	v3 =	vld [tilespmem:$0x20];
	_ =	sdelay $0x4  }
0x46: {  	v52 =	vshll.u32 v3, $0x2  }
0x47: {  	v3 =	vand.u32 $0x7, v3;
	v4 =	vand.u32 $0xFFFFFFE0, v52  }
0x48: {  	v3 =	vor.u32 v3, v4  }
0x49: {  	v4 =	vperm.xlane v3, v0;
	_ =	sdelay $0x1  }
0x4a: {  	v4 =	vadd.s32 v1, v4;
	_ =	sdelay $0x1  }
0x4b: {  	v3 =	vperm.xlane v3, v2;
	_ =	sdelay $0x1  }
0x4c: {  	s23 =	simm.s32 $0x4C80;
	v3 =	vadd.s32 v1, v3  }
0x4d: {  	[tilespmem:s23], [sflag:$0x1] =	stream.indirect_vreg.gather [hbm4b:s1+s3], $0x80, v4, vm0, $0xb8;
	[tilespmem:$0x1CC80] =	vst v63  }
0x4e: {  	s6 =	simm.s32 $0x5480  }
0x4f: {  	[tilespmem:s6], [sflag:$0x1] =	stream.indirect_vreg.gather [hbm4b:s7+s3], $0x80, v4, vm0, $0xb8;
	[tilespmem:$0x1CC80] =	vst v63  }
0x50: {  	s13 =	simm.s32 $0x5C80  }
0x51: {  	[tilespmem:s13], [sflag:$0x1] =	stream.indirect_vreg.gather [hbm4b:s1+s3], $0x80, v3, vm0, $0xb8;
	[tilespmem:$0x1CC80] =	vst v63  }
0x52: {  	s23 =	simm.s32 $0x6480  }
0x53: {  	[tilespmem:s23], [sflag:$0x1] =	stream.indirect_vreg.gather [hbm4b:s7+s3], $0x80, v3, vm0, $0xb8;
	[tilespmem:$0x1CC80] =	vst v63  }
0x54: {  	v3 =	vld [tilespmem:$0x30];
	_ =	sdelay $0x4  }
0x55: {  	v53 =	vshll.u32 v3, $0x2  }
0x56: {  	v3 =	vand.u32 $0x7, v3;
	v4 =	vand.u32 $0xFFFFFFE0, v53  }
0x57: {  	v3 =	vor.u32 v3, v4  }
0x58: {  	v4 =	vperm.xlane v3, v0;
	_ =	sdelay $0x1  }
0x59: {  	v4 =	vadd.s32 v1, v4;
	_ =	sdelay $0x1  }
0x5a: {  	v3 =	vperm.xlane v3, v2;
	_ =	sdelay $0x1  }
0x5b: {  	s6 =	simm.s32 $0x6C80;
	v3 =	vadd.s32 v1, v3  }
0x5c: {  	[tilespmem:s6], [sflag:$0x1] =	stream.indirect_vreg.gather [hbm4b:s1+s3], $0x80, v4, vm0, $0xb8;
	[tilespmem:$0x1CC80] =	vst v63  }
0x5d: {  	s13 =	simm.s32 $0x7480  }
0x5e: {  	[tilespmem:s13], [sflag:$0x1] =	stream.indirect_vreg.gather [hbm4b:s7+s3], $0x80, v4, vm0, $0xb8;
	[tilespmem:$0x1CC80] =	vst v63  }
0x5f: {  	s23 =	simm.s32 $0x7C80  }
0x60: {  	[tilespmem:s23], [sflag:$0x1] =	stream.indirect_vreg.gather [hbm4b:s1+s3], $0x80, v3, vm0, $0xb8;
	[tilespmem:$0x1CC80] =	vst v63  }
0x61: {  	s6 =	simm.s32 $0x8480  }
0x62: {  	[tilespmem:s6], [sflag:$0x1] =	stream.indirect_vreg.gather [hbm4b:s7+s3], $0x80, v3, vm0, $0xb8;
	[tilespmem:$0x1CC80] =	vst v63  }
0x63: {  	v3 =	vld [tilespmem:$0x40];
	_ =	sdelay $0x4  }
0x64: {  	v54 =	vshll.u32 v3, $0x2  }
0x65: {  	v3 =	vand.u32 $0x7, v3;
	v4 =	vand.u32 $0xFFFFFFE0, v54  }
0x66: {  	v3 =	vor.u32 v3, v4  }
0x67: {  	v4 =	vperm.xlane v3, v0;
	_ =	sdelay $0x1  }
0x68: {  	v4 =	vadd.s32 v1, v4;
	_ =	sdelay $0x1  }
0x69: {  	v3 =	vperm.xlane v3, v2;
	_ =	sdelay $0x1  }
0x6a: {  	s13 =	simm.s32 $0x8C80;
	v3 =	vadd.s32 v1, v3  }
0x6b: {  	[tilespmem:s13], [sflag:$0x1] =	stream.indirect_vreg.gather [hbm4b:s1+s3], $0x80, v4, vm0, $0xb8;
	[tilespmem:$0x1CC80] =	vst v63  }
0x6c: {  	s23 =	simm.s32 $0x9480  }
0x6d: {  	[tilespmem:s23], [sflag:$0x1] =	stream.indirect_vreg.gather [hbm4b:s7+s3], $0x80, v4, vm0, $0xb8;
	[tilespmem:$0x1CC80] =	vst v63  }
0x6e: {  	s6 =	simm.s32 $0x9C80  }
0x6f: {  	[tilespmem:s6], [sflag:$0x1] =	stream.indirect_vreg.gather [hbm4b:s1+s3], $0x80, v3, vm0, $0xb8;
	[tilespmem:$0x1CC80] =	vst v63  }
0x70: {  	s13 =	simm.s32 $0xA480  }
0x71: {  	[tilespmem:s13], [sflag:$0x1] =	stream.indirect_vreg.gather [hbm4b:s7+s3], $0x80, v3, vm0, $0xb8;
	[tilespmem:$0x1CC80] =	vst v63  }
0x72: {  	v3 =	vld [tilespmem:$0x50];
	_ =	sdelay $0x4  }
0x73: {  	v55 =	vshll.u32 v3, $0x2  }
0x74: {  	v3 =	vand.u32 $0x7, v3;
	v4 =	vand.u32 $0xFFFFFFE0, v55  }
0x75: {  	v3 =	vor.u32 v3, v4  }
0x76: {  	v4 =	vperm.xlane v3, v0;
	_ =	sdelay $0x1  }
0x77: {  	v4 =	vadd.s32 v1, v4;
	_ =	sdelay $0x1  }
0x78: {  	v3 =	vperm.xlane v3, v2;
	_ =	sdelay $0x1  }
0x79: {  	s23 =	simm.s32 $0xAC80;
	v3 =	vadd.s32 v1, v3  }
0x7a: {  	[tilespmem:s23], [sflag:$0x1] =	stream.indirect_vreg.gather [hbm4b:s1+s3], $0x80, v4, vm0, $0xb8;
	[tilespmem:$0x1CC80] =	vst v63  }
0x7b: {  	s6 =	simm.s32 $0xB480  }
0x7c: {  	[tilespmem:s6], [sflag:$0x1] =	stream.indirect_vreg.gather [hbm4b:s7+s3], $0x80, v4, vm0, $0xb8;
	[tilespmem:$0x1CC80] =	vst v63  }
0x7d: {  	s13 =	simm.s32 $0xBC80  }
0x7e: {  	[tilespmem:s13], [sflag:$0x1] =	stream.indirect_vreg.gather [hbm4b:s1+s3], $0x80, v3, vm0, $0xb8;
	[tilespmem:$0x1CC80] =	vst v63  }
0x7f: {  	s23 =	simm.s32 $0xC480  }
0x80: {  	[tilespmem:s23], [sflag:$0x1] =	stream.indirect_vreg.gather [hbm4b:s7+s3], $0x80, v3, vm0, $0xb8;
	[tilespmem:$0x1CC80] =	vst v63  }
0x81: {  	v3 =	vld [tilespmem:$0x60];
	_ =	sdelay $0x4  }
0x82: {  	v56 =	vshll.u32 v3, $0x2  }
0x83: {  	v3 =	vand.u32 $0x7, v3;
	v4 =	vand.u32 $0xFFFFFFE0, v56  }
0x84: {  	v3 =	vor.u32 v3, v4  }
0x85: {  	v4 =	vperm.xlane v3, v0;
	_ =	sdelay $0x1  }
0x86: {  	v4 =	vadd.s32 v1, v4;
	_ =	sdelay $0x1  }
0x87: {  	v3 =	vperm.xlane v3, v2;
	_ =	sdelay $0x1  }
0x88: {  	s6 =	simm.s32 $0xCC80;
	v3 =	vadd.s32 v1, v3  }
0x89: {  	[tilespmem:s6], [sflag:$0x1] =	stream.indirect_vreg.gather [hbm4b:s1+s3], $0x80, v4, vm0, $0xb8;
	[tilespmem:$0x1CC80] =	vst v63  }
0x8a: {  	s13 =	simm.s32 $0xD480  }
0x8b: {  	[tilespmem:s13], [sflag:$0x1] =	stream.indirect_vreg.gather [hbm4b:s7+s3], $0x80, v4, vm0, $0xb8;
	[tilespmem:$0x1CC80] =	vst v63  }
0x8c: {  	s23 =	simm.s32 $0xDC80  }
0x8d: {  	[tilespmem:s23], [sflag:$0x1] =	stream.indirect_vreg.gather [hbm4b:s1+s3], $0x80, v3, vm0, $0xb8;
	[tilespmem:$0x1CC80] =	vst v63  }
0x8e: {  	s6 =	simm.s32 $0xE480  }
0x8f: {  	[tilespmem:s6], [sflag:$0x1] =	stream.indirect_vreg.gather [hbm4b:s7+s3], $0x80, v3, vm0, $0xb8;
	[tilespmem:$0x1CC80] =	vst v63  }
0x90: {  	v3 =	vld [tilespmem:$0x70];
	_ =	sdelay $0x4  }
0x91: {  	v57 =	vshll.u32 v3, $0x2  }
0x92: {  	v3 =	vand.u32 $0x7, v3;
	v4 =	vand.u32 $0xFFFFFFE0, v57  }
0x93: {  	v3 =	vor.u32 v3, v4  }
0x94: {  	v4 =	vperm.xlane v3, v0;
	_ =	sdelay $0x1  }
0x95: {  	v4 =	vadd.s32 v1, v4;
	_ =	sdelay $0x1  }
0x96: {  	v3 =	vperm.xlane v3, v2;
	_ =	sdelay $0x1  }
0x97: {  	v3 =	vadd.s32 v1, v3  }
0x98: {  	[tilespmem:s15], [sflag:$0x2] =	stream.indirect_vreg.gather [hbm4b:s1+s3], $0x80, v4, vm0, $0xb8;
	[tilespmem:$0x1CC80] =	vst v63  }
0x99: {  	s13 =	simm.s32 $0xF480  }
0x9a: {  	[tilespmem:s13], [sflag:$0x2] =	stream.indirect_vreg.gather [hbm4b:s7+s3], $0x80, v4, vm0, $0xb8;
	[tilespmem:$0x1CC80] =	vst v63  }
0x9b: {  	s23 =	simm.s32 $0xFC80  }
0x9c: {  	[tilespmem:s23], [sflag:$0x2] =	stream.indirect_vreg.gather [hbm4b:s1+s3], $0x80, v3, vm0, $0xb8;
	[tilespmem:$0x1CC80] =	vst v63  }
0x9d: {  	s6 =	simm.s32 $0x10480  }
0x9e: {  	[tilespmem:s6], [sflag:$0x2] =	stream.indirect_vreg.gather [hbm4b:s7+s3], $0x80, v3, vm0, $0xb8;
	[tilespmem:$0x1CC80] =	vst v63  }
0x9f: {  	v3 =	vld [tilespmem:$0x80];
	_ =	sdelay $0x4  }
0xa0: {  	v58 =	vshll.u32 v3, $0x2  }
0xa1: {  	v3 =	vand.u32 $0x7, v3;
	v4 =	vand.u32 $0xFFFFFFE0, v58  }
0xa2: {  	v3 =	vor.u32 v3, v4  }
0xa3: {  	v4 =	vperm.xlane v3, v0;
	_ =	sdelay $0x1  }
0xa4: {  	v4 =	vadd.s32 v1, v4;
	_ =	sdelay $0x1  }
0xa5: {  	v3 =	vperm.xlane v3, v2;
	_ =	sdelay $0x1  }
0xa6: {  	s13 =	simm.s32 $0x10C80;
	v3 =	vadd.s32 v1, v3  }
0xa7: {  	[tilespmem:s13], [sflag:$0x2] =	stream.indirect_vreg.gather [hbm4b:s1+s3], $0x80, v4, vm0, $0xb8;
	[tilespmem:$0x1CC80] =	vst v63  }
0xa8: {  	s23 =	simm.s32 $0x11480  }
0xa9: {  	[tilespmem:s23], [sflag:$0x2] =	stream.indirect_vreg.gather [hbm4b:s7+s3], $0x80, v4, vm0, $0xb8;
	[tilespmem:$0x1CC80] =	vst v63  }
0xaa: {  	s6 =	simm.s32 $0x11C80  }
0xab: {  	[tilespmem:s6], [sflag:$0x2] =	stream.indirect_vreg.gather [hbm4b:s1+s3], $0x80, v3, vm0, $0xb8;
	[tilespmem:$0x1CC80] =	vst v63  }
0xac: {  	s13 =	simm.s32 $0x12480  }
0xad: {  	[tilespmem:s13], [sflag:$0x2] =	stream.indirect_vreg.gather [hbm4b:s7+s3], $0x80, v3, vm0, $0xb8;
	[tilespmem:$0x1CC80] =	vst v63  }
0xae: {  	v3 =	vld [tilespmem:$0x90];
	_ =	sdelay $0x4  }
0xaf: {  	v59 =	vshll.u32 v3, $0x2  }
0xb0: {  	v3 =	vand.u32 $0x7, v3;
	v4 =	vand.u32 $0xFFFFFFE0, v59  }
0xb1: {  	v3 =	vor.u32 v3, v4  }
0xb2: {  	v4 =	vperm.xlane v3, v0;
	_ =	sdelay $0x1  }
0xb3: {  	v4 =	vadd.s32 v1, v4;
	_ =	sdelay $0x1  }
0xb4: {  	v3 =	vperm.xlane v3, v2;
	_ =	sdelay $0x1  }
0xb5: {  	s23 =	simm.s32 $0x12C80;
	v3 =	vadd.s32 v1, v3  }
0xb6: {  	[tilespmem:s23], [sflag:$0x2] =	stream.indirect_vreg.gather [hbm4b:s1+s3], $0x80, v4, vm0, $0xb8;
	[tilespmem:$0x1CC80] =	vst v63  }
0xb7: {  	s6 =	simm.s32 $0x13480  }
0xb8: {  	[tilespmem:s6], [sflag:$0x2] =	stream.indirect_vreg.gather [hbm4b:s7+s3], $0x80, v4, vm0, $0xb8;
	[tilespmem:$0x1CC80] =	vst v63  }
0xb9: {  	s13 =	simm.s32 $0x13C80  }
0xba: {  	[tilespmem:s13], [sflag:$0x2] =	stream.indirect_vreg.gather [hbm4b:s1+s3], $0x80, v3, vm0, $0xb8;
	[tilespmem:$0x1CC80] =	vst v63  }
0xbb: {  	s23 =	simm.s32 $0x14480  }
0xbc: {  	[tilespmem:s23], [sflag:$0x2] =	stream.indirect_vreg.gather [hbm4b:s7+s3], $0x80, v3, vm0, $0xb8;
	[tilespmem:$0x1CC80] =	vst v63  }
0xbd: {  	v3 =	vld [tilespmem:$0xA0];
	_ =	sdelay $0x4  }
0xbe: {  	v60 =	vshll.u32 v3, $0x2  }
0xbf: {  	v3 =	vand.u32 $0x7, v3;
	v4 =	vand.u32 $0xFFFFFFE0, v60  }
0xc0: {  	v3 =	vor.u32 v3, v4  }
0xc1: {  	v4 =	vperm.xlane v3, v0;
	_ =	sdelay $0x1  }
0xc2: {  	v4 =	vadd.s32 v1, v4;
	_ =	sdelay $0x1  }
0xc3: {  	v3 =	vperm.xlane v3, v2;
	_ =	sdelay $0x1  }
0xc4: {  	v3 =	vadd.s32 v1, v3  }
0xc5: {  	[tilespmem:s14], [sflag:$0x2] =	stream.indirect_vreg.gather [hbm4b:s1+s3], $0x80, v4, vm0, $0xb8;
	[tilespmem:$0x1CC80] =	vst v63  }
0xc6: {  	_ = 	snop  }
0xc7: {  	[tilespmem:s24], [sflag:$0x2] =	stream.indirect_vreg.gather [hbm4b:s7+s3], $0x80, v4, vm0, $0xb8;
	[tilespmem:$0x1CC80] =	vst v63  }
0xc8: {  	_ = 	snop  }
0xc9: {  	[tilespmem:s16], [sflag:$0x2] =	stream.indirect_vreg.gather [hbm4b:s1+s3], $0x80, v3, vm0, $0xb8;
	[tilespmem:$0x1CC80] =	vst v63  }
0xca: {  	_ = 	snop  }
0xcb: {  	[tilespmem:s25], [sflag:$0x2] =	stream.indirect_vreg.gather [hbm4b:s7+s3], $0x80, v3, vm0, $0xb8;
	[tilespmem:$0x1CC80] =	vst v63  }
0xcc: {  	v3 =	vld [tilespmem:$0xB0];
	_ =	sdelay $0x4  }
0xcd: {  	v61 =	vshll.u32 v3, $0x2  }
0xce: {  	v3 =	vand.u32 $0x7, v3;
	v4 =	vand.u32 $0xFFFFFFE0, v61  }
0xcf: {  	v3 =	vor.u32 v3, v4  }
0xd0: {  	v4 =	vperm.xlane v3, v0;
	_ =	sdelay $0x1  }
0xd1: {  	v4 =	vadd.s32 v1, v4;
	_ =	sdelay $0x1  }
0xd2: {  	v3 =	vperm.xlane v3, v2;
	_ =	sdelay $0x1  }
0xd3: {  	v3 =	vadd.s32 v1, v3  }
0xd4: {  	[tilespmem:s17], [sflag:$0x2] =	stream.indirect_vreg.gather [hbm4b:s1+s3], $0x80, v4, vm0, $0xb8;
	[tilespmem:$0x1CC80] =	vst v63  }
0xd5: {  	_ = 	snop  }
0xd6: {  	[tilespmem:s26], [sflag:$0x2] =	stream.indirect_vreg.gather [hbm4b:s7+s3], $0x80, v4, vm0, $0xb8;
	[tilespmem:$0x1CC80] =	vst v63  }
0xd7: {  	_ = 	snop  }
0xd8: {  	[tilespmem:s18], [sflag:$0x2] =	stream.indirect_vreg.gather [hbm4b:s1+s3], $0x80, v3, vm0, $0xb8;
	[tilespmem:$0x1CC80] =	vst v63  }
0xd9: {  	_ = 	snop  }
0xda: {  	[tilespmem:s28], [sflag:$0x2] =	stream.indirect_vreg.gather [hbm4b:s7+s3], $0x80, v3, vm0, $0xb8;
	[tilespmem:$0x1CC80] =	vst v63  }
0xdb: {  	v3 =	vld [tilespmem:$0xC0];
	_ =	sdelay $0x4  }
0xdc: {  	v62 =	vshll.u32 v3, $0x2  }
0xdd: {  	v3 =	vand.u32 $0x7, v3;
	v4 =	vand.u32 $0xFFFFFFE0, v62  }
0xde: {  	v3 =	vor.u32 v3, v4  }
0xdf: {  	v4 =	vperm.xlane v3, v0;
	_ =	sdelay $0x1  }
0xe0: {  	v4 =	vadd.s32 v1, v4;
	_ =	sdelay $0x1  }
0xe1: {  	v3 =	vperm.xlane v3, v2;
	_ =	sdelay $0x1  }
0xe2: {  	v3 =	vadd.s32 v1, v3  }
0xe3: {  	[tilespmem:s19], [sflag:$0x2] =	stream.indirect_vreg.gather [hbm4b:s1+s3], $0x80, v4, vm0, $0xb8;
	[tilespmem:$0x1CC80] =	vst v63  }
0xe4: {  	_ = 	snop  }
0xe5: {  	[tilespmem:s29], [sflag:$0x2] =	stream.indirect_vreg.gather [hbm4b:s7+s3], $0x80, v4, vm0, $0xb8;
	[tilespmem:$0x1CC80] =	vst v63  }
0xe6: {  	_ = 	snop  }
0xe7: {  	[tilespmem:s20], [sflag:$0x2] =	stream.indirect_vreg.gather [hbm4b:s1+s3], $0x80, v3, vm0, $0xb8;
	[tilespmem:$0x1CC80] =	vst v63  }
0xe8: {  	_ = 	snop  }
0xe9: {  	[tilespmem:s30], [sflag:$0x2] =	stream.indirect_vreg.gather [hbm4b:s7+s3], $0x80, v3, vm0, $0xb8;
	[tilespmem:$0x1CC80] =	vst v63  }
0xea: {  	v3 =	vld [tilespmem:$0xD0];
	_ =	sdelay $0x4  }
0xeb: {  	v63 =	vshll.u32 v3, $0x2  }
0xec: {  	v3 =	vand.u32 $0x7, v3;
	v4 =	vand.u32 $0xFFFFFFE0, v63  }
0xed: {  	v3 =	vor.u32 v3, v4  }
0xee: {  	v4 =	vperm.xlane v3, v0;
	_ =	sdelay $0x1  }
0xef: {  	v4 =	vadd.s32 v1, v4;
	_ =	sdelay $0x2  }
0xf0: {  	v3 =	vperm.xlane v3, v2;
	_ =	sdelay $0x1  }
0xf1: {  	v3 =	vadd.s32 v1, v3;
	[tilespmem:s10], [sflag:$0x2] =	stream.indirect_vreg.gather [hbm4b:s1+s3], $0x80, v4, vm0, $0xb8;
	[tilespmem:$0x1CC80] =	vst v63  }
0xf2: {  	_ = 	snop  }
0xf3: {  	[tilespmem:s31], [sflag:$0x2] =	stream.indirect_vreg.gather [hbm4b:s7+s3], $0x80, v4, vm0, $0xb8;
	[tilespmem:$0x1CC80] =	vst v63  }
.Ltmp2:
0xf4: {  	_ = 	snop;
	(pc) =	sbr.rel .LBB2_2-.Ltmp2, $4  }
0xf5: {  	_ = 	snop  }
0xf6: {  	[tilespmem:s21], [sflag:$0x2] =	stream.indirect_vreg.gather [hbm4b:s1+s3], $0x80, v3, vm0, $0xb8;
	[tilespmem:$0x1CC80] =	vst v63  }
0xf7: {  	s5 =	rddreg [dreg:$0x8];
	s13 =	simm.s32 $0x1B0;
	s23 =	simm.s32 $0x0  }
0xf8: {  	[tilespmem:s0], [sflag:$0x2] =	stream.indirect_vreg.gather [hbm4b:s7+s3], $0x80, v3, vm0, $0xb8;
	[tilespmem:$0x1CC80] =	vst v63  }
.LBB2_4:
0xf9: {  	_ =	swait.ge [sflag:s9], $0xE000  }
0xfa: {  	[sflag:s9] =	ssyncset.done $0x0  }
0xfb: {  	[sflag:s9] =	ssyncadd.s32 $0xFFFF2000  }
.LBB2_5:
0xfc: {  	s23 =	sadd.s32 $0x1, s23  }
0xfd: {  	p2 =	sne.s32 s4, s23  }
.Ltmp3:
0xfe: {  	_ = 	snop;
	(pc) =	sbr.rel @!p2 .LBB2_6-.Ltmp3, $2  }
0xff: {  	_ =	sdelay $0x2  }
0x100: {  	s5 =	sadd.s32 $0x3800, s5;
	s13 =	sadd.s32 $0xE0, s13  }
.LBB2_2:
0x101: {  	_ =	swait.ge [sflag:s11], $0xE000  }
0x102: {  	[sflag:s11] =	ssyncset.done $0x0  }
0x103: {  	[sflag:s11] =	ssyncadd.s32 $0xFFFF2000  }
0x104: {  	[hbm4b:s5+s3] =	stream.linear.scatter [tilespmem:s12], [sflag:$0x3], $0xE000, $0x38;
	[tilespmem:$0x1CC80] =	vst v63  }
0x105: {  	_ =	swait.ge [sflag:s2], $0xE000  }
0x106: {  	p2 =	sge.u32 s23, s8;
	[sflag:s2] =	ssyncset.done $0x0  }
.Ltmp4:
0x107: {  	s6 =	sadd.s32 $0x1C00, s5;
	[sflag:s2] =	ssyncadd.s32 $0xFFFF2000;
	(pc) =	sbr.rel @p2 .LBB2_4-.Ltmp4, $4  }
0x108: {  	[hbm4b:s6+s3] =	stream.linear.scatter [tilespmem:s15], [sflag:$0x4], $0xE000, $0x38;
	[tilespmem:$0x1CC80] =	vst v63  }
0x109: {  	_ =	swait.ge [sflag:s22], $0xE000  }
0x10a: {  	[sflag:s22] =	ssyncset.done $0x0  }
0x10b: {  	[sflag:s22] =	ssyncadd.s32 $0xFFFF2000  }
0x10c: {  	v3 =	vld [tilespmem:s13+$0xFFFFFF30];
	_ =	sdelay $0x4  }
0x10d: {  	v4 =	vshll.u32 v3, $0x2  }
0x10e: {  	v3 =	vand.u32 $0x7, v3;
	v4 =	vand.u32 $0xFFFFFFE0, v4  }
0x10f: {  	v3 =	vor.u32 v3, v4  }
0x110: {  	v4 =	vperm.xlane v3, v0;
	_ =	sdelay $0x1  }
0x111: {  	v4 =	vadd.s32 v1, v4;
	_ =	sdelay $0x1  }
0x112: {  	v3 =	vperm.xlane v3, v2;
	_ =	sdelay $0x1  }
0x113: {  	v3 =	vadd.s32 v1, v3  }
0x114: {  	[tilespmem:s12], [sflag:$0x1] =	stream.indirect_vreg.gather [hbm4b:s1+s3], $0x80, v4, vm0, $0xb8;
	[tilespmem:$0x1CC80] =	vst v63  }
0x115: {  	s6 =	simm.s32 $0x1480  }
0x116: {  	[tilespmem:s6], [sflag:$0x1] =	stream.indirect_vreg.gather [hbm4b:s7+s3], $0x80, v4, vm0, $0xb8;
	[tilespmem:$0x1CC80] =	vst v63  }
0x117: {  	s6 =	simm.s32 $0x1C80  }
0x118: {  	[tilespmem:s6], [sflag:$0x1] =	stream.indirect_vreg.gather [hbm4b:s1+s3], $0x80, v3, vm0, $0xb8;
	[tilespmem:$0x1CC80] =	vst v63  }
0x119: {  	s6 =	simm.s32 $0x2480  }
0x11a: {  	[tilespmem:s6], [sflag:$0x1] =	stream.indirect_vreg.gather [hbm4b:s7+s3], $0x80, v3, vm0, $0xb8;
	[tilespmem:$0x1CC80] =	vst v63  }
0x11b: {  	v3 =	vld [tilespmem:s13+$0xFFFFFF40];
	_ =	sdelay $0x4  }
0x11c: {  	v51 =	vshll.u32 v3, $0x2  }
0x11d: {  	v3 =	vand.u32 $0x7, v3;
	v4 =	vand.u32 $0xFFFFFFE0, v51  }
0x11e: {  	v3 =	vor.u32 v3, v4  }
0x11f: {  	v4 =	vperm.xlane v3, v0;
	_ =	sdelay $0x1  }
0x120: {  	v4 =	vadd.s32 v1, v4;
	_ =	sdelay $0x1  }
0x121: {  	v3 =	vperm.xlane v3, v2;
	_ =	sdelay $0x1  }
0x122: {  	s6 =	simm.s32 $0x2C80;
	v3 =	vadd.s32 v1, v3  }
0x123: {  	[tilespmem:s6], [sflag:$0x1] =	stream.indirect_vreg.gather [hbm4b:s1+s3], $0x80, v4, vm0, $0xb8;
	[tilespmem:$0x1CC80] =	vst v63  }
0x124: {  	s6 =	simm.s32 $0x3480  }
0x125: {  	[tilespmem:s6], [sflag:$0x1] =	stream.indirect_vreg.gather [hbm4b:s7+s3], $0x80, v4, vm0, $0xb8;
	[tilespmem:$0x1CC80] =	vst v63  }
0x126: {  	s6 =	simm.s32 $0x3C80  }
0x127: {  	[tilespmem:s6], [sflag:$0x1] =	stream.indirect_vreg.gather [hbm4b:s1+s3], $0x80, v3, vm0, $0xb8;
	[tilespmem:$0x1CC80] =	vst v63  }
0x128: {  	s6 =	simm.s32 $0x4480  }
0x129: {  	[tilespmem:s6], [sflag:$0x1] =	stream.indirect_vreg.gather [hbm4b:s7+s3], $0x80, v3, vm0, $0xb8;
	[tilespmem:$0x1CC80] =	vst v63  }
0x12a: {  	v3 =	vld [tilespmem:s13+$0xFFFFFF50];
	_ =	sdelay $0x4  }
0x12b: {  	v52 =	vshll.u32 v3, $0x2  }
0x12c: {  	v3 =	vand.u32 $0x7, v3;
	v4 =	vand.u32 $0xFFFFFFE0, v52  }
0x12d: {  	v3 =	vor.u32 v3, v4  }
0x12e: {  	v4 =	vperm.xlane v3, v0;
	_ =	sdelay $0x1  }
0x12f: {  	v4 =	vadd.s32 v1, v4;
	_ =	sdelay $0x1  }
0x130: {  	v3 =	vperm.xlane v3, v2;
	_ =	sdelay $0x1  }
0x131: {  	s6 =	simm.s32 $0x4C80;
	v3 =	vadd.s32 v1, v3  }
0x132: {  	[tilespmem:s6], [sflag:$0x1] =	stream.indirect_vreg.gather [hbm4b:s1+s3], $0x80, v4, vm0, $0xb8;
	[tilespmem:$0x1CC80] =	vst v63  }
0x133: {  	s6 =	simm.s32 $0x5480  }
0x134: {  	[tilespmem:s6], [sflag:$0x1] =	stream.indirect_vreg.gather [hbm4b:s7+s3], $0x80, v4, vm0, $0xb8;
	[tilespmem:$0x1CC80] =	vst v63  }
0x135: {  	s6 =	simm.s32 $0x5C80  }
0x136: {  	[tilespmem:s6], [sflag:$0x1] =	stream.indirect_vreg.gather [hbm4b:s1+s3], $0x80, v3, vm0, $0xb8;
	[tilespmem:$0x1CC80] =	vst v63  }
0x137: {  	s6 =	simm.s32 $0x6480  }
0x138: {  	[tilespmem:s6], [sflag:$0x1] =	stream.indirect_vreg.gather [hbm4b:s7+s3], $0x80, v3, vm0, $0xb8;
	[tilespmem:$0x1CC80] =	vst v63  }
0x139: {  	v3 =	vld [tilespmem:s13+$0xFFFFFF60];
	_ =	sdelay $0x4  }
0x13a: {  	v53 =	vshll.u32 v3, $0x2  }
0x13b: {  	v3 =	vand.u32 $0x7, v3;
	v4 =	vand.u32 $0xFFFFFFE0, v53  }
0x13c: {  	v3 =	vor.u32 v3, v4  }
0x13d: {  	v4 =	vperm.xlane v3, v0;
	_ =	sdelay $0x1  }
0x13e: {  	v4 =	vadd.s32 v1, v4;
	_ =	sdelay $0x1  }
0x13f: {  	v3 =	vperm.xlane v3, v2;
	_ =	sdelay $0x1  }
0x140: {  	s6 =	simm.s32 $0x6C80;
	v3 =	vadd.s32 v1, v3  }
0x141: {  	[tilespmem:s6], [sflag:$0x1] =	stream.indirect_vreg.gather [hbm4b:s1+s3], $0x80, v4, vm0, $0xb8;
	[tilespmem:$0x1CC80] =	vst v63  }
0x142: {  	s6 =	simm.s32 $0x7480  }
0x143: {  	[tilespmem:s6], [sflag:$0x1] =	stream.indirect_vreg.gather [hbm4b:s7+s3], $0x80, v4, vm0, $0xb8;
	[tilespmem:$0x1CC80] =	vst v63  }
0x144: {  	s6 =	simm.s32 $0x7C80  }
0x145: {  	[tilespmem:s6], [sflag:$0x1] =	stream.indirect_vreg.gather [hbm4b:s1+s3], $0x80, v3, vm0, $0xb8;
	[tilespmem:$0x1CC80] =	vst v63  }
0x146: {  	s6 =	simm.s32 $0x8480  }
0x147: {  	[tilespmem:s6], [sflag:$0x1] =	stream.indirect_vreg.gather [hbm4b:s7+s3], $0x80, v3, vm0, $0xb8;
	[tilespmem:$0x1CC80] =	vst v63  }
0x148: {  	v3 =	vld [tilespmem:s13+$0xFFFFFF70];
	_ =	sdelay $0x4  }
0x149: {  	v54 =	vshll.u32 v3, $0x2  }
0x14a: {  	v3 =	vand.u32 $0x7, v3;
	v4 =	vand.u32 $0xFFFFFFE0, v54  }
0x14b: {  	v3 =	vor.u32 v3, v4  }
0x14c: {  	v4 =	vperm.xlane v3, v0;
	_ =	sdelay $0x1  }
0x14d: {  	v4 =	vadd.s32 v1, v4;
	_ =	sdelay $0x1  }
0x14e: {  	v3 =	vperm.xlane v3, v2;
	_ =	sdelay $0x1  }
0x14f: {  	s6 =	simm.s32 $0x8C80;
	v3 =	vadd.s32 v1, v3  }
0x150: {  	[tilespmem:s6], [sflag:$0x1] =	stream.indirect_vreg.gather [hbm4b:s1+s3], $0x80, v4, vm0, $0xb8;
	[tilespmem:$0x1CC80] =	vst v63  }
0x151: {  	s6 =	simm.s32 $0x9480  }
0x152: {  	[tilespmem:s6], [sflag:$0x1] =	stream.indirect_vreg.gather [hbm4b:s7+s3], $0x80, v4, vm0, $0xb8;
	[tilespmem:$0x1CC80] =	vst v63  }
0x153: {  	s6 =	simm.s32 $0x9C80  }
0x154: {  	[tilespmem:s6], [sflag:$0x1] =	stream.indirect_vreg.gather [hbm4b:s1+s3], $0x80, v3, vm0, $0xb8;
	[tilespmem:$0x1CC80] =	vst v63  }
0x155: {  	s6 =	simm.s32 $0xA480  }
0x156: {  	[tilespmem:s6], [sflag:$0x1] =	stream.indirect_vreg.gather [hbm4b:s7+s3], $0x80, v3, vm0, $0xb8;
	[tilespmem:$0x1CC80] =	vst v63  }
0x157: {  	v3 =	vld [tilespmem:s13+$0xFFFFFF80];
	_ =	sdelay $0x4  }
0x158: {  	v55 =	vshll.u32 v3, $0x2  }
0x159: {  	v3 =	vand.u32 $0x7, v3;
	v4 =	vand.u32 $0xFFFFFFE0, v55  }
0x15a: {  	v3 =	vor.u32 v3, v4  }
0x15b: {  	v4 =	vperm.xlane v3, v0;
	_ =	sdelay $0x1  }
0x15c: {  	v4 =	vadd.s32 v1, v4;
	_ =	sdelay $0x1  }
0x15d: {  	v3 =	vperm.xlane v3, v2;
	_ =	sdelay $0x1  }
0x15e: {  	s6 =	simm.s32 $0xAC80;
	v3 =	vadd.s32 v1, v3  }
0x15f: {  	[tilespmem:s6], [sflag:$0x1] =	stream.indirect_vreg.gather [hbm4b:s1+s3], $0x80, v4, vm0, $0xb8;
	[tilespmem:$0x1CC80] =	vst v63  }
0x160: {  	s6 =	simm.s32 $0xB480  }
0x161: {  	[tilespmem:s6], [sflag:$0x1] =	stream.indirect_vreg.gather [hbm4b:s7+s3], $0x80, v4, vm0, $0xb8;
	[tilespmem:$0x1CC80] =	vst v63  }
0x162: {  	s6 =	simm.s32 $0xBC80  }
0x163: {  	[tilespmem:s6], [sflag:$0x1] =	stream.indirect_vreg.gather [hbm4b:s1+s3], $0x80, v3, vm0, $0xb8;
	[tilespmem:$0x1CC80] =	vst v63  }
0x164: {  	s6 =	simm.s32 $0xC480  }
0x165: {  	[tilespmem:s6], [sflag:$0x1] =	stream.indirect_vreg.gather [hbm4b:s7+s3], $0x80, v3, vm0, $0xb8;
	[tilespmem:$0x1CC80] =	vst v63  }
0x166: {  	v3 =	vld [tilespmem:s13+$0xFFFFFF90];
	_ =	sdelay $0x4  }
0x167: {  	v56 =	vshll.u32 v3, $0x2  }
0x168: {  	v3 =	vand.u32 $0x7, v3;
	v4 =	vand.u32 $0xFFFFFFE0, v56  }
0x169: {  	v3 =	vor.u32 v3, v4  }
0x16a: {  	v4 =	vperm.xlane v3, v0;
	_ =	sdelay $0x1  }
0x16b: {  	v4 =	vadd.s32 v1, v4;
	_ =	sdelay $0x1  }
0x16c: {  	v3 =	vperm.xlane v3, v2;
	_ =	sdelay $0x1  }
0x16d: {  	s6 =	simm.s32 $0xCC80;
	v3 =	vadd.s32 v1, v3  }
0x16e: {  	[tilespmem:s6], [sflag:$0x1] =	stream.indirect_vreg.gather [hbm4b:s1+s3], $0x80, v4, vm0, $0xb8;
	[tilespmem:$0x1CC80] =	vst v63  }
0x16f: {  	s6 =	simm.s32 $0xD480  }
0x170: {  	[tilespmem:s6], [sflag:$0x1] =	stream.indirect_vreg.gather [hbm4b:s7+s3], $0x80, v4, vm0, $0xb8;
	[tilespmem:$0x1CC80] =	vst v63  }
0x171: {  	s6 =	simm.s32 $0xDC80  }
0x172: {  	[tilespmem:s6], [sflag:$0x1] =	stream.indirect_vreg.gather [hbm4b:s1+s3], $0x80, v3, vm0, $0xb8;
	[tilespmem:$0x1CC80] =	vst v63  }
0x173: {  	s6 =	simm.s32 $0xE480  }
0x174: {  	[tilespmem:s6], [sflag:$0x1] =	stream.indirect_vreg.gather [hbm4b:s7+s3], $0x80, v3, vm0, $0xb8;
	[tilespmem:$0x1CC80] =	vst v63  }
0x175: {  	_ =	swait.ge [sflag:s9], $0xE000  }
0x176: {  	[sflag:s9] =	ssyncset.done $0x0  }
0x177: {  	[sflag:s9] =	ssyncadd.s32 $0xFFFF2000  }
0x178: {  	v3 =	vld [tilespmem:s13+$0xFFFFFFA0];
	_ =	sdelay $0x4  }
0x179: {  	v57 =	vshll.u32 v3, $0x2  }
0x17a: {  	v3 =	vand.u32 $0x7, v3;
	v4 =	vand.u32 $0xFFFFFFE0, v57  }
0x17b: {  	v3 =	vor.u32 v3, v4  }
0x17c: {  	v4 =	vperm.xlane v3, v0;
	_ =	sdelay $0x1  }
0x17d: {  	v4 =	vadd.s32 v1, v4;
	_ =	sdelay $0x1  }
0x17e: {  	v3 =	vperm.xlane v3, v2;
	_ =	sdelay $0x1  }
0x17f: {  	v3 =	vadd.s32 v1, v3  }
0x180: {  	[tilespmem:s15], [sflag:$0x2] =	stream.indirect_vreg.gather [hbm4b:s1+s3], $0x80, v4, vm0, $0xb8;
	[tilespmem:$0x1CC80] =	vst v63  }
0x181: {  	s6 =	simm.s32 $0xF480  }
0x182: {  	[tilespmem:s6], [sflag:$0x2] =	stream.indirect_vreg.gather [hbm4b:s7+s3], $0x80, v4, vm0, $0xb8;
	[tilespmem:$0x1CC80] =	vst v63  }
0x183: {  	s6 =	simm.s32 $0xFC80  }
0x184: {  	[tilespmem:s6], [sflag:$0x2] =	stream.indirect_vreg.gather [hbm4b:s1+s3], $0x80, v3, vm0, $0xb8;
	[tilespmem:$0x1CC80] =	vst v63  }
0x185: {  	s6 =	simm.s32 $0x10480  }
0x186: {  	[tilespmem:s6], [sflag:$0x2] =	stream.indirect_vreg.gather [hbm4b:s7+s3], $0x80, v3, vm0, $0xb8;
	[tilespmem:$0x1CC80] =	vst v63  }
0x187: {  	v3 =	vld [tilespmem:s13+$0xFFFFFFB0];
	_ =	sdelay $0x4  }
0x188: {  	v58 =	vshll.u32 v3, $0x2  }
0x189: {  	v3 =	vand.u32 $0x7, v3;
	v4 =	vand.u32 $0xFFFFFFE0, v58  }
0x18a: {  	v3 =	vor.u32 v3, v4  }
0x18b: {  	v4 =	vperm.xlane v3, v0;
	_ =	sdelay $0x1  }
0x18c: {  	v4 =	vadd.s32 v1, v4;
	_ =	sdelay $0x1  }
0x18d: {  	v3 =	vperm.xlane v3, v2;
	_ =	sdelay $0x1  }
0x18e: {  	s6 =	simm.s32 $0x10C80;
	v3 =	vadd.s32 v1, v3  }
0x18f: {  	[tilespmem:s6], [sflag:$0x2] =	stream.indirect_vreg.gather [hbm4b:s1+s3], $0x80, v4, vm0, $0xb8;
	[tilespmem:$0x1CC80] =	vst v63  }
0x190: {  	s6 =	simm.s32 $0x11480  }
0x191: {  	[tilespmem:s6], [sflag:$0x2] =	stream.indirect_vreg.gather [hbm4b:s7+s3], $0x80, v4, vm0, $0xb8;
	[tilespmem:$0x1CC80] =	vst v63  }
0x192: {  	s6 =	simm.s32 $0x11C80  }
0x193: {  	[tilespmem:s6], [sflag:$0x2] =	stream.indirect_vreg.gather [hbm4b:s1+s3], $0x80, v3, vm0, $0xb8;
	[tilespmem:$0x1CC80] =	vst v63  }
0x194: {  	s6 =	simm.s32 $0x12480  }
0x195: {  	[tilespmem:s6], [sflag:$0x2] =	stream.indirect_vreg.gather [hbm4b:s7+s3], $0x80, v3, vm0, $0xb8;
	[tilespmem:$0x1CC80] =	vst v63  }
0x196: {  	v3 =	vld [tilespmem:s13+$0xFFFFFFC0];
	_ =	sdelay $0x4  }
0x197: {  	v59 =	vshll.u32 v3, $0x2  }
0x198: {  	v3 =	vand.u32 $0x7, v3;
	v4 =	vand.u32 $0xFFFFFFE0, v59  }
0x199: {  	v3 =	vor.u32 v3, v4  }
0x19a: {  	v4 =	vperm.xlane v3, v0;
	_ =	sdelay $0x1  }
0x19b: {  	v4 =	vadd.s32 v1, v4;
	_ =	sdelay $0x1  }
0x19c: {  	v3 =	vperm.xlane v3, v2;
	_ =	sdelay $0x1  }
0x19d: {  	s6 =	simm.s32 $0x12C80;
	v3 =	vadd.s32 v1, v3  }
0x19e: {  	[tilespmem:s6], [sflag:$0x2] =	stream.indirect_vreg.gather [hbm4b:s1+s3], $0x80, v4, vm0, $0xb8;
	[tilespmem:$0x1CC80] =	vst v63  }
0x19f: {  	s6 =	simm.s32 $0x13480  }
0x1a0: {  	[tilespmem:s6], [sflag:$0x2] =	stream.indirect_vreg.gather [hbm4b:s7+s3], $0x80, v4, vm0, $0xb8;
	[tilespmem:$0x1CC80] =	vst v63  }
0x1a1: {  	s6 =	simm.s32 $0x13C80  }
0x1a2: {  	[tilespmem:s6], [sflag:$0x2] =	stream.indirect_vreg.gather [hbm4b:s1+s3], $0x80, v3, vm0, $0xb8;
	[tilespmem:$0x1CC80] =	vst v63  }
0x1a3: {  	s6 =	simm.s32 $0x14480  }
0x1a4: {  	[tilespmem:s6], [sflag:$0x2] =	stream.indirect_vreg.gather [hbm4b:s7+s3], $0x80, v3, vm0, $0xb8;
	[tilespmem:$0x1CC80] =	vst v63  }
0x1a5: {  	v3 =	vld [tilespmem:s13+$0xFFFFFFD0];
	_ =	sdelay $0x4  }
0x1a6: {  	v60 =	vshll.u32 v3, $0x2  }
0x1a7: {  	v3 =	vand.u32 $0x7, v3;
	v4 =	vand.u32 $0xFFFFFFE0, v60  }
0x1a8: {  	v3 =	vor.u32 v3, v4  }
0x1a9: {  	v4 =	vperm.xlane v3, v0;
	_ =	sdelay $0x1  }
0x1aa: {  	v4 =	vadd.s32 v1, v4;
	_ =	sdelay $0x1  }
0x1ab: {  	v3 =	vperm.xlane v3, v2;
	_ =	sdelay $0x1  }
0x1ac: {  	v3 =	vadd.s32 v1, v3  }
0x1ad: {  	[tilespmem:s14], [sflag:$0x2] =	stream.indirect_vreg.gather [hbm4b:s1+s3], $0x80, v4, vm0, $0xb8;
	[tilespmem:$0x1CC80] =	vst v63  }
0x1ae: {  	_ = 	snop  }
0x1af: {  	[tilespmem:s24], [sflag:$0x2] =	stream.indirect_vreg.gather [hbm4b:s7+s3], $0x80, v4, vm0, $0xb8;
	[tilespmem:$0x1CC80] =	vst v63  }
0x1b0: {  	_ = 	snop  }
0x1b1: {  	[tilespmem:s16], [sflag:$0x2] =	stream.indirect_vreg.gather [hbm4b:s1+s3], $0x80, v3, vm0, $0xb8;
	[tilespmem:$0x1CC80] =	vst v63  }
0x1b2: {  	_ = 	snop  }
0x1b3: {  	[tilespmem:s25], [sflag:$0x2] =	stream.indirect_vreg.gather [hbm4b:s7+s3], $0x80, v3, vm0, $0xb8;
	[tilespmem:$0x1CC80] =	vst v63  }
0x1b4: {  	v3 =	vld [tilespmem:s13+$0xFFFFFFE0];
	_ =	sdelay $0x4  }
0x1b5: {  	v61 =	vshll.u32 v3, $0x2  }
0x1b6: {  	v3 =	vand.u32 $0x7, v3;
	v4 =	vand.u32 $0xFFFFFFE0, v61  }
0x1b7: {  	v3 =	vor.u32 v3, v4  }
0x1b8: {  	v4 =	vperm.xlane v3, v0;
	_ =	sdelay $0x1  }
0x1b9: {  	v4 =	vadd.s32 v1, v4;
	_ =	sdelay $0x1  }
0x1ba: {  	v3 =	vperm.xlane v3, v2;
	_ =	sdelay $0x1  }
0x1bb: {  	v3 =	vadd.s32 v1, v3  }
0x1bc: {  	[tilespmem:s17], [sflag:$0x2] =	stream.indirect_vreg.gather [hbm4b:s1+s3], $0x80, v4, vm0, $0xb8;
	[tilespmem:$0x1CC80] =	vst v63  }
0x1bd: {  	_ = 	snop  }
0x1be: {  	[tilespmem:s26], [sflag:$0x2] =	stream.indirect_vreg.gather [hbm4b:s7+s3], $0x80, v4, vm0, $0xb8;
	[tilespmem:$0x1CC80] =	vst v63  }
0x1bf: {  	_ = 	snop  }
0x1c0: {  	[tilespmem:s18], [sflag:$0x2] =	stream.indirect_vreg.gather [hbm4b:s1+s3], $0x80, v3, vm0, $0xb8;
	[tilespmem:$0x1CC80] =	vst v63  }
0x1c1: {  	_ = 	snop  }
0x1c2: {  	[tilespmem:s28], [sflag:$0x2] =	stream.indirect_vreg.gather [hbm4b:s7+s3], $0x80, v3, vm0, $0xb8;
	[tilespmem:$0x1CC80] =	vst v63  }
0x1c3: {  	v3 =	vld [tilespmem:s13+$0xFFFFFFF0];
	_ =	sdelay $0x4  }
0x1c4: {  	v62 =	vshll.u32 v3, $0x2  }
0x1c5: {  	v3 =	vand.u32 $0x7, v3;
	v4 =	vand.u32 $0xFFFFFFE0, v62  }
0x1c6: {  	v3 =	vor.u32 v3, v4  }
0x1c7: {  	v4 =	vperm.xlane v3, v0;
	_ =	sdelay $0x1  }
0x1c8: {  	v4 =	vadd.s32 v1, v4;
	_ =	sdelay $0x1  }
0x1c9: {  	v3 =	vperm.xlane v3, v2;
	_ =	sdelay $0x1  }
0x1ca: {  	v3 =	vadd.s32 v1, v3  }
0x1cb: {  	[tilespmem:s19], [sflag:$0x2] =	stream.indirect_vreg.gather [hbm4b:s1+s3], $0x80, v4, vm0, $0xb8;
	[tilespmem:$0x1CC80] =	vst v63  }
0x1cc: {  	_ = 	snop  }
0x1cd: {  	[tilespmem:s29], [sflag:$0x2] =	stream.indirect_vreg.gather [hbm4b:s7+s3], $0x80, v4, vm0, $0xb8;
	[tilespmem:$0x1CC80] =	vst v63  }
0x1ce: {  	_ = 	snop  }
0x1cf: {  	[tilespmem:s20], [sflag:$0x2] =	stream.indirect_vreg.gather [hbm4b:s1+s3], $0x80, v3, vm0, $0xb8;
	[tilespmem:$0x1CC80] =	vst v63  }
0x1d0: {  	_ = 	snop  }
0x1d1: {  	[tilespmem:s30], [sflag:$0x2] =	stream.indirect_vreg.gather [hbm4b:s7+s3], $0x80, v3, vm0, $0xb8;
	[tilespmem:$0x1CC80] =	vst v63  }
0x1d2: {  	v3 =	vld [tilespmem:s13+$0x0];
	_ =	sdelay $0x4  }
0x1d3: {  	v63 =	vshll.u32 v3, $0x2  }
0x1d4: {  	v3 =	vand.u32 $0x7, v3;
	v4 =	vand.u32 $0xFFFFFFE0, v63  }
0x1d5: {  	v3 =	vor.u32 v3, v4  }
0x1d6: {  	v4 =	vperm.xlane v3, v0;
	_ =	sdelay $0x1  }
0x1d7: {  	v4 =	vadd.s32 v1, v4;
	_ =	sdelay $0x2  }
0x1d8: {  	v3 =	vperm.xlane v3, v2;
	_ =	sdelay $0x1  }
0x1d9: {  	v3 =	vadd.s32 v1, v3;
	[tilespmem:s10], [sflag:$0x2] =	stream.indirect_vreg.gather [hbm4b:s1+s3], $0x80, v4, vm0, $0xb8;
	[tilespmem:$0x1CC80] =	vst v63  }
0x1da: {  	_ = 	snop  }
0x1db: {  	[tilespmem:s31], [sflag:$0x2] =	stream.indirect_vreg.gather [hbm4b:s7+s3], $0x80, v4, vm0, $0xb8;
	[tilespmem:$0x1CC80] =	vst v63  }
.Ltmp5:
0x1dc: {  	_ = 	snop;
	(pc) =	sbr.rel .LBB2_5-.Ltmp5, $4  }
0x1dd: {  	_ = 	snop  }
0x1de: {  	[tilespmem:s21], [sflag:$0x2] =	stream.indirect_vreg.gather [hbm4b:s1+s3], $0x80, v3, vm0, $0xb8;
	[tilespmem:$0x1CC80] =	vst v63  }
0x1df: {  	_ = 	snop  }
0x1e0: {  	[tilespmem:s0], [sflag:$0x2] =	stream.indirect_vreg.gather [hbm4b:s7+s3], $0x80, v3, vm0, $0xb8;
	[tilespmem:$0x1CC80] =	vst v63  }
.LBB2_6:
.Ltmp6:
0x1e1: {  	(pc) =	sbr.rel @p1 .LBB2_8-.Ltmp6, $2  }
0x1e2: {  	_ =	sdelay $0x2  }
0x1e3: {  	s6 =	rddreg [dreg:$0x9]  }
0x1e4: {  	v3 =	vld [tilespmem:$0xA80];
	_ =	sdelay $0x4  }
0x1e5: {  	v4 =	vshll.u32 v3, $0x2  }
0x1e6: {  	v3 =	vand.u32 $0x7, v3;
	v4 =	vand.u32 $0xFFFFFFE0, v4  }
0x1e7: {  	v3 =	vor.u32 v3, v4  }
0x1e8: {  	v4 =	vperm.xlane v3, v0;
	_ =	sdelay $0x1  }
0x1e9: {  	v4 =	vadd.s32 v1, v4;
	_ =	sdelay $0x1  }
0x1ea: {  	v3 =	vperm.xlane v3, v2;
	_ =	sdelay $0x1  }
0x1eb: {  	v3 =	vadd.s32 v1, v3  }
0x1ec: {  	[tilespmem:s12], [sflag:$0x1] =	stream.indirect_vreg.gather [hbm4b:s1+s3], $0x80, v4, vm0, $0xb8;
	[tilespmem:$0x1CC80] =	vst v63  }
0x1ed: {  	s5 =	simm.s32 $0x1480  }
0x1ee: {  	[tilespmem:s5], [sflag:$0x1] =	stream.indirect_vreg.gather [hbm4b:s7+s3], $0x80, v4, vm0, $0xb8;
	[tilespmem:$0x1CC80] =	vst v63  }
0x1ef: {  	s23 =	simm.s32 $0x1C80  }
0x1f0: {  	[tilespmem:s23], [sflag:$0x1] =	stream.indirect_vreg.gather [hbm4b:s1+s3], $0x80, v3, vm0, $0xb8;
	[tilespmem:$0x1CC80] =	vst v63  }
0x1f1: {  	s13 =	simm.s32 $0x2480  }
0x1f2: {  	[tilespmem:s13], [sflag:$0x1] =	stream.indirect_vreg.gather [hbm4b:s7+s3], $0x80, v3, vm0, $0xb8;
	[tilespmem:$0x1CC80] =	vst v63  }
0x1f3: {  	v3 =	vld [tilespmem:$0xA90];
	_ =	sdelay $0x4  }
0x1f4: {  	v59 =	vshll.u32 v3, $0x2  }
0x1f5: {  	v3 =	vand.u32 $0x7, v3;
	v4 =	vand.u32 $0xFFFFFFE0, v59  }
0x1f6: {  	v3 =	vor.u32 v3, v4  }
0x1f7: {  	v4 =	vperm.xlane v3, v0;
	_ =	sdelay $0x1  }
0x1f8: {  	v4 =	vadd.s32 v1, v4;
	_ =	sdelay $0x1  }
0x1f9: {  	v3 =	vperm.xlane v3, v2;
	_ =	sdelay $0x1  }
0x1fa: {  	s23 =	simm.s32 $0x2C80;
	v3 =	vadd.s32 v1, v3  }
0x1fb: {  	[tilespmem:s23], [sflag:$0x1] =	stream.indirect_vreg.gather [hbm4b:s1+s3], $0x80, v4, vm0, $0xb8;
	[tilespmem:$0x1CC80] =	vst v63  }
0x1fc: {  	s13 =	simm.s32 $0x3480  }
0x1fd: {  	[tilespmem:s13], [sflag:$0x1] =	stream.indirect_vreg.gather [hbm4b:s7+s3], $0x80, v4, vm0, $0xb8;
	[tilespmem:$0x1CC80] =	vst v63  }
0x1fe: {  	s23 =	simm.s32 $0x3C80  }
0x1ff: {  	[tilespmem:s23], [sflag:$0x1] =	stream.indirect_vreg.gather [hbm4b:s1+s3], $0x80, v3, vm0, $0xb8;
	[tilespmem:$0x1CC80] =	vst v63  }
0x200: {  	s13 =	simm.s32 $0x4480  }
0x201: {  	[tilespmem:s13], [sflag:$0x1] =	stream.indirect_vreg.gather [hbm4b:s7+s3], $0x80, v3, vm0, $0xb8;
	[tilespmem:$0x1CC80] =	vst v63  }
0x202: {  	v3 =	vld [tilespmem:$0xAA0];
	_ =	sdelay $0x4  }
0x203: {  	v60 =	vshll.u32 v3, $0x2  }
0x204: {  	v3 =	vand.u32 $0x7, v3;
	v4 =	vand.u32 $0xFFFFFFE0, v60  }
0x205: {  	v3 =	vor.u32 v3, v4  }
0x206: {  	v4 =	vperm.xlane v3, v0;
	_ =	sdelay $0x1  }
0x207: {  	v4 =	vadd.s32 v1, v4;
	_ =	sdelay $0x1  }
0x208: {  	v3 =	vperm.xlane v3, v2;
	_ =	sdelay $0x1  }
0x209: {  	s23 =	simm.s32 $0x4C80;
	v3 =	vadd.s32 v1, v3  }
0x20a: {  	[tilespmem:s23], [sflag:$0x1] =	stream.indirect_vreg.gather [hbm4b:s1+s3], $0x80, v4, vm0, $0xb8;
	[tilespmem:$0x1CC80] =	vst v63  }
0x20b: {  	s13 =	simm.s32 $0x5480  }
0x20c: {  	[tilespmem:s13], [sflag:$0x1] =	stream.indirect_vreg.gather [hbm4b:s7+s3], $0x80, v4, vm0, $0xb8;
	[tilespmem:$0x1CC80] =	vst v63  }
0x20d: {  	s23 =	simm.s32 $0x5C80  }
0x20e: {  	[tilespmem:s23], [sflag:$0x1] =	stream.indirect_vreg.gather [hbm4b:s1+s3], $0x80, v3, vm0, $0xb8;
	[tilespmem:$0x1CC80] =	vst v63  }
0x20f: {  	s13 =	simm.s32 $0x6480  }
0x210: {  	[tilespmem:s13], [sflag:$0x1] =	stream.indirect_vreg.gather [hbm4b:s7+s3], $0x80, v3, vm0, $0xb8;
	[tilespmem:$0x1CC80] =	vst v63  }
0x211: {  	v3 =	vld [tilespmem:$0xAB0];
	_ =	sdelay $0x4  }
0x212: {  	v61 =	vshll.u32 v3, $0x2  }
0x213: {  	v3 =	vand.u32 $0x7, v3;
	v4 =	vand.u32 $0xFFFFFFE0, v61  }
0x214: {  	v3 =	vor.u32 v3, v4  }
0x215: {  	v4 =	vperm.xlane v3, v0;
	_ =	sdelay $0x1  }
0x216: {  	v4 =	vadd.s32 v1, v4;
	_ =	sdelay $0x1  }
0x217: {  	v3 =	vperm.xlane v3, v2;
	_ =	sdelay $0x1  }
0x218: {  	s23 =	simm.s32 $0x6C80;
	v3 =	vadd.s32 v1, v3  }
0x219: {  	[tilespmem:s23], [sflag:$0x1] =	stream.indirect_vreg.gather [hbm4b:s1+s3], $0x80, v4, vm0, $0xb8;
	[tilespmem:$0x1CC80] =	vst v63  }
0x21a: {  	s13 =	simm.s32 $0x7480  }
0x21b: {  	[tilespmem:s13], [sflag:$0x1] =	stream.indirect_vreg.gather [hbm4b:s7+s3], $0x80, v4, vm0, $0xb8;
	[tilespmem:$0x1CC80] =	vst v63  }
0x21c: {  	s23 =	simm.s32 $0x7C80  }
0x21d: {  	[tilespmem:s23], [sflag:$0x1] =	stream.indirect_vreg.gather [hbm4b:s1+s3], $0x80, v3, vm0, $0xb8;
	[tilespmem:$0x1CC80] =	vst v63  }
0x21e: {  	s13 =	simm.s32 $0x8480  }
0x21f: {  	[tilespmem:s13], [sflag:$0x1] =	stream.indirect_vreg.gather [hbm4b:s7+s3], $0x80, v3, vm0, $0xb8;
	[tilespmem:$0x1CC80] =	vst v63  }
0x220: {  	v3 =	vld [tilespmem:$0xAC0];
	_ =	sdelay $0x4  }
0x221: {  	v62 =	vshll.u32 v3, $0x2  }
0x222: {  	v3 =	vand.u32 $0x7, v3;
	v4 =	vand.u32 $0xFFFFFFE0, v62  }
0x223: {  	v3 =	vor.u32 v3, v4  }
0x224: {  	v4 =	vperm.xlane v3, v0;
	_ =	sdelay $0x1  }
0x225: {  	v4 =	vadd.s32 v1, v4;
	_ =	sdelay $0x1  }
0x226: {  	v3 =	vperm.xlane v3, v2;
	_ =	sdelay $0x1  }
0x227: {  	s23 =	simm.s32 $0x8C80;
	v3 =	vadd.s32 v1, v3  }
0x228: {  	[tilespmem:s23], [sflag:$0x1] =	stream.indirect_vreg.gather [hbm4b:s1+s3], $0x80, v4, vm0, $0xb8;
	[tilespmem:$0x1CC80] =	vst v63  }
0x229: {  	s13 =	simm.s32 $0x9480  }
0x22a: {  	[tilespmem:s13], [sflag:$0x1] =	stream.indirect_vreg.gather [hbm4b:s7+s3], $0x80, v4, vm0, $0xb8;
	[tilespmem:$0x1CC80] =	vst v63  }
0x22b: {  	s23 =	simm.s32 $0x9C80  }
0x22c: {  	[tilespmem:s23], [sflag:$0x1] =	stream.indirect_vreg.gather [hbm4b:s1+s3], $0x80, v3, vm0, $0xb8;
	[tilespmem:$0x1CC80] =	vst v63  }
0x22d: {  	s13 =	simm.s32 $0xA480  }
0x22e: {  	[tilespmem:s13], [sflag:$0x1] =	stream.indirect_vreg.gather [hbm4b:s7+s3], $0x80, v3, vm0, $0xb8;
	[tilespmem:$0x1CC80] =	vst v63  }
0x22f: {  	v3 =	vld [tilespmem:$0xAD0];
	_ =	sdelay $0x4  }
0x230: {  	v63 =	vshll.u32 v3, $0x2  }
0x231: {  	v3 =	vand.u32 $0x7, v3;
	v4 =	vand.u32 $0xFFFFFFE0, v63  }
0x232: {  	v3 =	vor.u32 v3, v4  }
0x233: {  	v4 =	vperm.xlane v3, v0;
	_ =	sdelay $0x1  }
0x234: {  	v4 =	vadd.s32 v1, v4;
	_ =	sdelay $0x1  }
0x235: {  	v3 =	vperm.xlane v3, v2;
	_ =	sdelay $0x1  }
0x236: {  	s23 =	simm.s32 $0xAC80;
	v3 =	vadd.s32 v1, v3  }
0x237: {  	[tilespmem:s23], [sflag:$0x1] =	stream.indirect_vreg.gather [hbm4b:s1+s3], $0x80, v4, vm0, $0xb8;
	[tilespmem:$0x1CC80] =	vst v63  }
0x238: {  	s13 =	simm.s32 $0xB480  }
0x239: {  	[tilespmem:s13], [sflag:$0x1] =	stream.indirect_vreg.gather [hbm4b:s7+s3], $0x80, v4, vm0, $0xb8;
	[tilespmem:$0x1CC80] =	vst v63  }
0x23a: {  	s23 =	simm.s32 $0xBC80  }
0x23b: {  	[tilespmem:s23], [sflag:$0x1] =	stream.indirect_vreg.gather [hbm4b:s1+s3], $0x80, v3, vm0, $0xb8;
	[tilespmem:$0x1CC80] =	vst v63  }
0x23c: {  	s13 =	simm.s32 $0xC480  }
0x23d: {  	[tilespmem:s13], [sflag:$0x1] =	stream.indirect_vreg.gather [hbm4b:s7+s3], $0x80, v3, vm0, $0xb8;
	[tilespmem:$0x1CC80] =	vst v63  }
0x23e: {  	_ =	swait.ge [sflag:s11], $0xC000  }
0x23f: {  	[sflag:s11] =	ssyncset.done $0x0  }
.Ltmp7:
0x240: {  	s23 =	rddreg [dreg:$0x6];
	[sflag:s11] =	ssyncadd.s32 $0xFFFF4000;
	(pc) =	sbr.rel .LBB2_8-.Ltmp7, $4  }
0x241: {  	[hbm4b:s23+s3] =	stream.linear.scatter [tilespmem:s12], [sflag:$0x3], $0xC000, $0x38;
	[tilespmem:$0x1CC80] =	vst v63  }
0x242: {  	_ =	swait.ge [sflag:s22], $0xC000  }
0x243: {  	[sflag:s22] =	ssyncset.done $0x0  }
0x244: {  	[sflag:s22] =	ssyncadd.s32 $0xFFFF4000  }
.LBB2_9:
0x245: {  	_ =	sfence.sel $0x180000  }
0x246: {  	[bflag:$0x0] =	sbarrier.arrive $0xFFFF  }
0x247: {  	_ =	strace $0x90000047  }
0x248: {  	s0 =	stileid.u32;
	[bflag:$0x2] =	sbarrier.arrive $0xFFFF  }
0x249: {  	p0 =	sne.s32 s0, $0x0;
	s0 =	rddreg [dreg:$0x3]  }
0x24a: {  	s0 =	sadd.s32 @!p0 $0x100000, s0  }
0x24b: {  	[sflag:s0] =	ssyncadd.tile.s32 @!p0 $0x1;
	_ =	shalt  }
.Lfunc_end2:
_tile_overlayer_lowered:
.L_overlay_start_2:
0x24c: {  	(tag) =	ssettag $0x2  }
0x24d: {  	s0 =	rddreg [dreg:$0x0];
	s2 =	stileid.u32  }
0x24e: {  	s1 =	rddreg [dreg:$0x1];
	p0 =	sne.s32 s2, $0x0  }
0x24f: {  	s3 =	rddreg [dreg:$0x2];
	[bflag:$0x3] =	sbarrier.arrive $0xFFFF;
	s2 =	simm.s32 @!p0 $0x1C05  }
0x250: {  	[timem:s3], [sflag:s2] =	dma.local @!p0 [hbm:s0], s1  }
0x251: {  	s0 =	simm.s32 @!p0 $0x5  }
0x252: {  	_ =	swait.ge @!p0 [sflag:s0], s1  }
0x253: {  	s1 =	ssub.s32 @!p0 $0x0, s1;
	[sflag:s0] =	ssyncset.done @!p0 $0x0  }
0x254: {  	[sflag:s0] =	ssyncadd.s32 @!p0 s1  }
0x255: {  	[bflag:$0x3] =	sbarrier.arrive $0xFFFF  }
0x256: {  	_ =	shalt  }

</sc_bundles>
